<compile_context>
chip_gen: v7x
topology: tpu7x:2x2x1
jax: 0.10.2.dev20260603
libtpu: 0.0.44.dev20260713+nightly
codegen_flags: <defaults>
</compile_context>

<pallas_src>
import functools

import jax
import jax.numpy as jnp
from jax import lax
from jax.experimental import pallas as pl
from jax.experimental.pallas import tpu as pltpu
from jax.experimental.pallas import tpu_sc as plsc

B = 64
C_IN = 384
C_OUT = 192
H = W = 48
L = 16
NC, NS = 2, 16
NW = NC * NS
N = B * H * W
RPT = N // NW
K = 96
NCHUNK = RPT // K
NJ = C_OUT // L


def _sc_gather(x2, filt):
    mesh = plsc.VectorSubcoreMesh(core_axis_name="c", subcore_axis_name="s")

    @functools.partial(
        pl.kernel,
        mesh=mesh,
        out_type=jax.ShapeDtypeStruct((N, C_OUT), jnp.float32),
        scratch_types=[
            pltpu.VMEM((C_OUT,), jnp.int32),
            pltpu.VMEM((K, C_IN), jnp.float32),
            pltpu.VMEM((K, C_IN), jnp.float32),
            pltpu.VMEM((K, C_OUT), jnp.float32),
            pltpu.VMEM((K, C_OUT), jnp.float32),
            pltpu.SemaphoreType.DMA,
            pltpu.SemaphoreType.DMA,
            pltpu.SemaphoreType.DMA,
            pltpu.SemaphoreType.DMA,
        ],
        compiler_params=pltpu.CompilerParams(needs_layout_passes=False),
    )
    def k(x_hbm, filt_hbm, out_hbm, filt_v, ibuf0, ibuf1, obuf0, obuf1,
          gi0, gi1, po0, po1):
        wid = lax.axis_index("s") * NC + lax.axis_index("c")
        base = wid * RPT
        pltpu.sync_copy(filt_hbm, filt_v)
        cols = [filt_v[pl.ds(j * L, L)] for j in range(NJ)]
        ibuf = (ibuf0, ibuf1)
        obuf = (obuf0, obuf1)
        gsem = (gi0, gi1)
        psem = (po0, po1)

        def in_cp(g, s):
            return pltpu.make_async_copy(
                x_hbm.at[pl.ds(base + g * K, K)], ibuf[s], gsem[s])

        def out_cp(g, s):
            return pltpu.make_async_copy(
                obuf[s], out_hbm.at[pl.ds(base + g * K, K)], psem[s])

        def compute(ib, ob):
            @plsc.parallel_loop(0, K, unroll=4)
            def _row(r):
                rv = jnp.full((L,), r, dtype=jnp.int32)
                for j in range(NJ):
                    ob[r, pl.ds(j * L, L)] = plsc.load_gather(
                        ib, [rv, cols[j]])

        in_cp(0, 0).start()

        @pl.loop(0, NCHUNK, step=2)
        def _chunks(g):
            in_cp(g + 1, 1).start()
            in_cp(g, 0).wait()

            @pl.when(g >= 2)
            def _():
                out_cp(g - 2, 0).wait()

            compute(ibuf[0], obuf[0])
            out_cp(g, 0).start()

            @pl.when(g + 2 < NCHUNK)
            def _():
                in_cp(g + 2, 0).start()

            in_cp(g + 1, 1).wait()

            @pl.when(g >= 1)
            def _():
                out_cp(g - 1, 1).wait()

            compute(ibuf[1], obuf[1])
            out_cp(g + 1, 1).start()

        out_cp(NCHUNK - 2, 0).wait()
        out_cp(NCHUNK - 1, 1).wait()

    return k(x2, filt)


def kernel(x, filters_to_keep):
    xp = jnp.transpose(x, (0, 2, 3, 1)).reshape(N, C_IN)
    out2 = _sc_gather(xp, filters_to_keep.astype(jnp.int32))
    return jnp.transpose(out2.reshape(B, H, W, C_OUT), (0, 3, 1, 2))

# --- scband reference (transcript-rebuilt; emitter-appended) ---
"""Pipeline reference for scband-filter-selection-layer-90400471646716 (READ-ONLY COPY).

The authoritative reference and input builder live on the scoring server;
editing this copy changes nothing except your own understanding.
"""

import jax, jax.numpy as jnp
import numpy as np

FILTERS_TO_KEEP = np.arange(0, 384, 2, dtype=np.int32)  # 192 even indices, matches init_kwargs

def setup_inputs(seed: int = 0) -> dict:
    key = jax.random.key(seed)
    x = jax.random.normal(key, (64, 384, 48, 48), dtype=jnp.float32)
    filters_to_keep = jnp.asarray(FILTERS_TO_KEEP, dtype=jnp.int32)
    return {"x": x, "filters_to_keep": filters_to_keep}

def reference(x, filters_to_keep):
    # Equivalent of torch: x[:, filters_to_keep] -> gather along channel axis
    return jnp.take(x, filters_to_keep, axis=1)

if __name__ == "__main__":
    import jax
    _d = setup_inputs()
    print(jax.jit(kernel)(*tuple(_d.values())))

</pallas_src>

<mosaic_0001>
#map = affine_map<(d0, d1) -> (0, 0)>
#map1 = affine_map<(d0, d1) -> (0)>
module attributes {stable_mosaic.version = 14 : i64} {
  func.func @k(%arg0: i32, %arg1: i32, %arg2: memref<147456x384xf32, #tpu.memory_space<hbm>>, %arg3: memref<192xi32, #tpu.memory_space<hbm>>, %arg4: memref<147456x192xf32, #tpu.memory_space<hbm>>, %arg5: memref<192xi32, #tpu.memory_space<vmem>>, %arg6: memref<96x384xf32, #tpu.memory_space<vmem>>, %arg7: memref<96x384xf32, #tpu.memory_space<vmem>>, %arg8: memref<96x192xf32, #tpu.memory_space<vmem>>, %arg9: memref<96x192xf32, #tpu.memory_space<vmem>>, %arg10: memref<!tpu.dma_semaphore, #tpu.memory_space<semaphore_mem>>, %arg11: memref<!tpu.dma_semaphore, #tpu.memory_space<semaphore_mem>>, %arg12: memref<!tpu.dma_semaphore, #tpu.memory_space<semaphore_mem>>, %arg13: memref<!tpu.dma_semaphore, #tpu.memory_space<semaphore_mem>>) attributes {dimension_semantics = [#tpu.dimension_semantics<core_parallel>, #tpu.dimension_semantics<subcore_parallel>], iteration_bounds = array<i64: 2, 16>, scalar_prefetch = 0 : i64, scratch_operands = 9 : i64, tpu.core_type = #tpu.core_type<sc_vector_subcore>, window_params = [{transform_indices = #map}, {transform_indices = #map1}, {transform_indices = #map}]} {
    %mul3A = arith.constant 2 : i32
    %mul3A_0 = arith.muli %arg1, %mul3A : i32
    %add3A = arith.addi %mul3A_0, %arg0 : i32
    %mul3A_1 = arith.constant 4608 : i32
    %mul3A_2 = arith.muli %add3A, %mul3A_1 : i32
    "tpu.region"() ({
      %run_scoped3A = tpu.sem_alloc : memref<!tpu.dma_semaphore, #tpu.memory_space<semaphore_mem>>
      tpu.enqueue_dma source(%arg3 : memref<192xi32, #tpu.memory_space<hbm>>) target(%arg5 : memref<192xi32, #tpu.memory_space<vmem>>) target_semaphore(%run_scoped3A : memref<!tpu.dma_semaphore, #tpu.memory_space<semaphore_mem>>)
      tpu.wait_dma2 semaphore(%run_scoped3A : memref<!tpu.dma_semaphore, #tpu.memory_space<semaphore_mem>>) src(%arg3 : memref<192xi32, #tpu.memory_space<hbm>>) dst(%arg5 : memref<192xi32, #tpu.memory_space<vmem>>)
      tpu.yield
    }) : () -> ()
    %get3A = arith.constant 0 : index
    %get3A_3 = tpu.vector_load %arg5[%get3A] {strides = array<i32>} : memref<192xi32, #tpu.memory_space<vmem>>, vector<16xi32>,
    %get3A_4 = arith.constant 16 : index
    %get3A_5 = tpu.vector_load %arg5[%get3A_4] {strides = array<i32>} : memref<192xi32, #tpu.memory_space<vmem>>, vector<16xi32>,
    %get3A_6 = arith.constant 32 : index
    %get3A_7 = tpu.vector_load %arg5[%get3A_6] {strides = array<i32>} : memref<192xi32, #tpu.memory_space<vmem>>, vector<16xi32>,
    %get3A_8 = arith.constant 48 : index
    %get3A_9 = tpu.vector_load %arg5[%get3A_8] {strides = array<i32>} : memref<192xi32, #tpu.memory_space<vmem>>, vector<16xi32>,
    %get3A_10 = arith.constant 64 : index
    %get3A_11 = tpu.vector_load %arg5[%get3A_10] {strides = array<i32>} : memref<192xi32, #tpu.memory_space<vmem>>, vector<16xi32>,
    %get3A_12 = arith.constant 80 : index
    %get3A_13 = tpu.vector_load %arg5[%get3A_12] {strides = array<i32>} : memref<192xi32, #tpu.memory_space<vmem>>, vector<16xi32>,
    %get3A_14 = arith.constant 96 : index
    %get3A_15 = tpu.vector_load %arg5[%get3A_14] {strides = array<i32>} : memref<192xi32, #tpu.memory_space<vmem>>, vector<16xi32>,
    %get3A_16 = arith.constant 112 : index
    %get3A_17 = tpu.vector_load %arg5[%get3A_16] {strides = array<i32>} : memref<192xi32, #tpu.memory_space<vmem>>, vector<16xi32>,
    %get3A_18 = arith.constant 128 : index
    %get3A_19 = tpu.vector_load %arg5[%get3A_18] {strides = array<i32>} : memref<192xi32, #tpu.memory_space<vmem>>, vector<16xi32>,
    %get3A_20 = arith.constant 144 : index
    %get3A_21 = tpu.vector_load %arg5[%get3A_20] {strides = array<i32>} : memref<192xi32, #tpu.memory_space<vmem>>, vector<16xi32>,
    %get3A_22 = arith.constant 160 : index
    %get3A_23 = tpu.vector_load %arg5[%get3A_22] {strides = array<i32>} : memref<192xi32, #tpu.memory_space<vmem>>, vector<16xi32>,
    %get3A_24 = arith.constant 176 : index
    %get3A_25 = tpu.vector_load %arg5[%get3A_24] {strides = array<i32>} : memref<192xi32, #tpu.memory_space<vmem>>, vector<16xi32>,
    %add3A_26 = arith.constant 0 : i32
    %add3A_27 = arith.addi %mul3A_2, %add3A_26 : i32
    %dma_start3A = arith.constant 0 : i32
    %dma_start3A_28 = tpu.memref_slice %arg2[%add3A_27, %dma_start3A] : memref<147456x384xf32, #tpu.memory_space<hbm>> -> memref<96x384xf32, #tpu.memory_space<hbm>>
    %dma_start3A_29 = arith.constant 0 : i32
    %dma_start3A_30 = tpu.memref_slice %arg2[%add3A_27, %dma_start3A_29] : memref<147456x384xf32, #tpu.memory_space<hbm>> -> memref<96x384xf32, #tpu.memory_space<hbm>>
    tpu.enqueue_dma source(%dma_start3A_30 : memref<96x384xf32, #tpu.memory_space<hbm>>) target(%arg6 : memref<96x384xf32, #tpu.memory_space<vmem>>) target_semaphore(%arg10 : memref<!tpu.dma_semaphore, #tpu.memory_space<semaphore_mem>>)
    %scan3A = arith.constant 0 : i32
    %scan3A_31 = arith.constant 24 : i32
    %scan3A_32 = arith.addi %scan3A, %scan3A_31 : i32
    %scan3A_33 = arith.constant 1 : i32
    scf.for %scan3A_46 = %scan3A to %scan3A_32 step %scan3A_33  : i32 {
      %mul3A_47 = arith.constant 2 : i32
      %mul3A_48 = arith.muli %scan3A_46, %mul3A_47 : i32
      %add3A_49 = arith.constant 0 : i32
      %add3A_50 = arith.addi %add3A_49, %mul3A_48 : i32
      %add3A_51 = arith.constant 1 : i32
      %add3A_52 = arith.addi %add3A_50, %add3A_51 : i32
      %mul3A_53 = arith.constant 96 : i32
      %mul3A_54 = arith.muli %add3A_52, %mul3A_53 : i32
      %add3A_55 = arith.addi %mul3A_2, %mul3A_54 : i32
      %dma_start3A_56 = arith.constant 0 : i32
      %dma_start3A_57 = tpu.memref_slice %arg2[%add3A_55, %dma_start3A_56] : memref<147456x384xf32, #tpu.memory_space<hbm>> -> memref<96x384xf32, #tpu.memory_space<hbm>>
      %dma_start3A_58 = arith.constant 0 : i32
      %dma_start3A_59 = tpu.memref_slice %arg2[%add3A_55, %dma_start3A_58] : memref<147456x384xf32, #tpu.memory_space<hbm>> -> memref<96x384xf32, #tpu.memory_space<hbm>>
      tpu.enqueue_dma source(%dma_start3A_59 : memref<96x384xf32, #tpu.memory_space<hbm>>) target(%arg7 : memref<96x384xf32, #tpu.memory_space<vmem>>) target_semaphore(%arg11 : memref<!tpu.dma_semaphore, #tpu.memory_space<semaphore_mem>>)
      %mul3A_60 = arith.constant 96 : i32
      %mul3A_61 = arith.muli %add3A_50, %mul3A_60 : i32
      %add3A_62 = arith.addi %mul3A_2, %mul3A_61 : i32
      %dma_wait3A_63 = arith.constant 0 : i32
      %dma_wait3A_64 = tpu.memref_slice %arg2[%add3A_62, %dma_wait3A_63] : memref<147456x384xf32, #tpu.memory_space<hbm>> -> memref<96x384xf32, #tpu.memory_space<hbm>>
      %dma_wait3A_65 = arith.constant 0 : i32
      %dma_wait3A_66 = tpu.memref_slice %arg2[%add3A_62, %dma_wait3A_65] : memref<147456x384xf32, #tpu.memory_space<hbm>> -> memref<96x384xf32, #tpu.memory_space<hbm>>
      tpu.wait_dma2 semaphore(%arg10 : memref<!tpu.dma_semaphore, #tpu.memory_space<semaphore_mem>>) src(%dma_wait3A_66 : memref<96x384xf32, #tpu.memory_space<hbm>>) dst(%arg6 : memref<96x384xf32, #tpu.memory_space<vmem>>)
      %ge3A = arith.constant 2 : i32
      %ge3A_67 = arith.cmpi sge, %add3A_50, %ge3A : i32
      %convert_element_type3A = arith.extui %ge3A_67 : i1 to i32
      %cond3A = arith.constant 0 : i32
      %cond3A_68 = arith.cmpi ne, %convert_element_type3A, %cond3A : i32
      scf.if %cond3A_68 {
        %sub3A = arith.constant 2 : i32
        %sub3A_110 = arith.subi %add3A_50, %sub3A : i32
        %mul3A_111 = arith.constant 96 : i32
        %mul3A_112 = arith.muli %sub3A_110, %mul3A_111 : i32
        %add3A_113 = arith.addi %mul3A_2, %mul3A_112 : i32
        %dma_wait3A_114 = arith.constant 0 : i32
        %dma_wait3A_115 = tpu.memref_slice %arg4[%add3A_113, %dma_wait3A_114] : memref<147456x192xf32, #tpu.memory_space<hbm>> -> memref<96x192xf32, #tpu.memory_space<hbm>>
        %dma_wait3A_116 = arith.constant 0 : i32
        %dma_wait3A_117 = tpu.memref_slice %arg4[%add3A_113, %dma_wait3A_116] : memref<147456x192xf32, #tpu.memory_space<hbm>> -> memref<96x192xf32, #tpu.memory_space<hbm>>
        tpu.wait_dma2 semaphore(%arg12 : memref<!tpu.dma_semaphore, #tpu.memory_space<semaphore_mem>>) src(%arg8 : memref<96x192xf32, #tpu.memory_space<vmem>>) dst(%dma_wait3A_117 : memref<96x192xf32, #tpu.memory_space<hbm>>)
      } else {
      }
      %parallel_loop3A = arith.constant 0 : i32
      %parallel_loop3A_69 = arith.constant 96 : i32
      %parallel_loop3A_70 = arith.constant 1 : i32
      scf.for %parallel_loop3A_110 = %parallel_loop3A to %parallel_loop3A_69 step %parallel_loop3A_70  : i32 {
        %parallel_loop3A_111 = vector.broadcast %parallel_loop3A_110 : i32 to vector<16xi32>
        %parallel_loop3A_112 = tpu.vector_load_idx %arg6[%parallel_loop3A_111, %get3A_3] : memref<96x384xf32, #tpu.memory_space<vmem>>[vector<16xi32>, vector<16xi32>], vector<16xf32>,
        %parallel_loop3A_113 = arith.index_cast %parallel_loop3A_110 : i32 to index
        %parallel_loop3A_114 = arith.constant 0 : index
        %parallel_loop3A_115 = tpu.vector_load %arg8[%parallel_loop3A_113, %parallel_loop3A_114] {strides = array<i32>} : memref<96x192xf32, #tpu.memory_space<vmem>>, vector<16xf32>,
        tpu.vector_store %arg8[%parallel_loop3A_113, %parallel_loop3A_114], %parallel_loop3A_112 {strides = array<i32>} : memref<96x192xf32, #tpu.memory_space<vmem>>, vector<16xf32>,
        %parallel_loop3A_116 = tpu.vector_load_idx %arg6[%parallel_loop3A_111, %get3A_5] : memref<96x384xf32, #tpu.memory_space<vmem>>[vector<16xi32>, vector<16xi32>], vector<16xf32>,
        %parallel_loop3A_117 = arith.index_cast %parallel_loop3A_110 : i32 to index
        %parallel_loop3A_118 = arith.constant 16 : index
        %parallel_loop3A_119 = tpu.vector_load %arg8[%parallel_loop3A_117, %parallel_loop3A_118] {strides = array<i32>} : memref<96x192xf32, #tpu.memory_space<vmem>>, vector<16xf32>,
        tpu.vector_store %arg8[%parallel_loop3A_117, %parallel_loop3A_118], %parallel_loop3A_116 {strides = array<i32>} : memref<96x192xf32, #tpu.memory_space<vmem>>, vector<16xf32>,
        %parallel_loop3A_120 = tpu.vector_load_idx %arg6[%parallel_loop3A_111, %get3A_7] : memref<96x384xf32, #tpu.memory_space<vmem>>[vector<16xi32>, vector<16xi32>], vector<16xf32>,
        %parallel_loop3A_121 = arith.index_cast %parallel_loop3A_110 : i32 to index
        %parallel_loop3A_122 = arith.constant 32 : index
        %parallel_loop3A_123 = tpu.vector_load %arg8[%parallel_loop3A_121, %parallel_loop3A_122] {strides = array<i32>} : memref<96x192xf32, #tpu.memory_space<vmem>>, vector<16xf32>,
        tpu.vector_store %arg8[%parallel_loop3A_121, %parallel_loop3A_122], %parallel_loop3A_120 {strides = array<i32>} : memref<96x192xf32, #tpu.memory_space<vmem>>, vector<16xf32>,
        %parallel_loop3A_124 = tpu.vector_load_idx %arg6[%parallel_loop3A_111, %get3A_9] : memref<96x384xf32, #tpu.memory_space<vmem>>[vector<16xi32>, vector<16xi32>], vector<16xf32>,
        %parallel_loop3A_125 = arith.index_cast %parallel_loop3A_110 : i32 to index
        %parallel_loop3A_126 = arith.constant 48 : index
        %parallel_loop3A_127 = tpu.vector_load %arg8[%parallel_loop3A_125, %parallel_loop3A_126] {strides = array<i32>} : memref<96x192xf32, #tpu.memory_space<vmem>>, vector<16xf32>,
        tpu.vector_store %arg8[%parallel_loop3A_125, %parallel_loop3A_126], %parallel_loop3A_124 {strides = array<i32>} : memref<96x192xf32, #tpu.memory_space<vmem>>, vector<16xf32>,
        %parallel_loop3A_128 = tpu.vector_load_idx %arg6[%parallel_loop3A_111, %get3A_11] : memref<96x384xf32, #tpu.memory_space<vmem>>[vector<16xi32>, vector<16xi32>], vector<16xf32>,
        %parallel_loop3A_129 = arith.index_cast %parallel_loop3A_110 : i32 to index
        %parallel_loop3A_130 = arith.constant 64 : index
        %parallel_loop3A_131 = tpu.vector_load %arg8[%parallel_loop3A_129, %parallel_loop3A_130] {strides = array<i32>} : memref<96x192xf32, #tpu.memory_space<vmem>>, vector<16xf32>,
        tpu.vector_store %arg8[%parallel_loop3A_129, %parallel_loop3A_130], %parallel_loop3A_128 {strides = array<i32>} : memref<96x192xf32, #tpu.memory_space<vmem>>, vector<16xf32>,
        %parallel_loop3A_132 = tpu.vector_load_idx %arg6[%parallel_loop3A_111, %get3A_13] : memref<96x384xf32, #tpu.memory_space<vmem>>[vector<16xi32>, vector<16xi32>], vector<16xf32>,
        %parallel_loop3A_133 = arith.index_cast %parallel_loop3A_110 : i32 to index
        %parallel_loop3A_134 = arith.constant 80 : index
        %parallel_loop3A_135 = tpu.vector_load %arg8[%parallel_loop3A_133, %parallel_loop3A_134] {strides = array<i32>} : memref<96x192xf32, #tpu.memory_space<vmem>>, vector<16xf32>,
        tpu.vector_store %arg8[%parallel_loop3A_133, %parallel_loop3A_134], %parallel_loop3A_132 {strides = array<i32>} : memref<96x192xf32, #tpu.memory_space<vmem>>, vector<16xf32>,
        %parallel_loop3A_136 = tpu.vector_load_idx %arg6[%parallel_loop3A_111, %get3A_15] : memref<96x384xf32, #tpu.memory_space<vmem>>[vector<16xi32>, vector<16xi32>], vector<16xf32>,
        %parallel_loop3A_137 = arith.index_cast %parallel_loop3A_110 : i32 to index
        %parallel_loop3A_138 = arith.constant 96 : index
        %parallel_loop3A_139 = tpu.vector_load %arg8[%parallel_loop3A_137, %parallel_loop3A_138] {strides = array<i32>} : memref<96x192xf32, #tpu.memory_space<vmem>>, vector<16xf32>,
        tpu.vector_store %arg8[%parallel_loop3A_137, %parallel_loop3A_138], %parallel_loop3A_136 {strides = array<i32>} : memref<96x192xf32, #tpu.memory_space<vmem>>, vector<16xf32>,
        %parallel_loop3A_140 = tpu.vector_load_idx %arg6[%parallel_loop3A_111, %get3A_17] : memref<96x384xf32, #tpu.memory_space<vmem>>[vector<16xi32>, vector<16xi32>], vector<16xf32>,
        %parallel_loop3A_141 = arith.index_cast %parallel_loop3A_110 : i32 to index
        %parallel_loop3A_142 = arith.constant 112 : index
        %parallel_loop3A_143 = tpu.vector_load %arg8[%parallel_loop3A_141, %parallel_loop3A_142] {strides = array<i32>} : memref<96x192xf32, #tpu.memory_space<vmem>>, vector<16xf32>,
        tpu.vector_store %arg8[%parallel_loop3A_141, %parallel_loop3A_142], %parallel_loop3A_140 {strides = array<i32>} : memref<96x192xf32, #tpu.memory_space<vmem>>, vector<16xf32>,
        %parallel_loop3A_144 = tpu.vector_load_idx %arg6[%parallel_loop3A_111, %get3A_19] : memref<96x384xf32, #tpu.memory_space<vmem>>[vector<16xi32>, vector<16xi32>], vector<16xf32>,
        %parallel_loop3A_145 = arith.index_cast %parallel_loop3A_110 : i32 to index
        %parallel_loop3A_146 = arith.constant 128 : index
        %parallel_loop3A_147 = tpu.vector_load %arg8[%parallel_loop3A_145, %parallel_loop3A_146] {strides = array<i32>} : memref<96x192xf32, #tpu.memory_space<vmem>>, vector<16xf32>,
        tpu.vector_store %arg8[%parallel_loop3A_145, %parallel_loop3A_146], %parallel_loop3A_144 {strides = array<i32>} : memref<96x192xf32, #tpu.memory_space<vmem>>, vector<16xf32>,
        %parallel_loop3A_148 = tpu.vector_load_idx %arg6[%parallel_loop3A_111, %get3A_21] : memref<96x384xf32, #tpu.memory_space<vmem>>[vector<16xi32>, vector<16xi32>], vector<16xf32>,
        %parallel_loop3A_149 = arith.index_cast %parallel_loop3A_110 : i32 to index
        %parallel_loop3A_150 = arith.constant 144 : index
        %parallel_loop3A_151 = tpu.vector_load %arg8[%parallel_loop3A_149, %parallel_loop3A_150] {strides = array<i32>} : memref<96x192xf32, #tpu.memory_space<vmem>>, vector<16xf32>,
        tpu.vector_store %arg8[%parallel_loop3A_149, %parallel_loop3A_150], %parallel_loop3A_148 {strides = array<i32>} : memref<96x192xf32, #tpu.memory_space<vmem>>, vector<16xf32>,
        %parallel_loop3A_152 = tpu.vector_load_idx %arg6[%parallel_loop3A_111, %get3A_23] : memref<96x384xf32, #tpu.memory_space<vmem>>[vector<16xi32>, vector<16xi32>], vector<16xf32>,
        %parallel_loop3A_153 = arith.index_cast %parallel_loop3A_110 : i32 to index
        %parallel_loop3A_154 = arith.constant 160 : index
        %parallel_loop3A_155 = tpu.vector_load %arg8[%parallel_loop3A_153, %parallel_loop3A_154] {strides = array<i32>} : memref<96x192xf32, #tpu.memory_space<vmem>>, vector<16xf32>,
        tpu.vector_store %arg8[%parallel_loop3A_153, %parallel_loop3A_154], %parallel_loop3A_152 {strides = array<i32>} : memref<96x192xf32, #tpu.memory_space<vmem>>, vector<16xf32>,
        %parallel_loop3A_156 = tpu.vector_load_idx %arg6[%parallel_loop3A_111, %get3A_25] : memref<96x384xf32, #tpu.memory_space<vmem>>[vector<16xi32>, vector<16xi32>], vector<16xf32>,
        %parallel_loop3A_157 = arith.index_cast %parallel_loop3A_110 : i32 to index
        %parallel_loop3A_158 = arith.constant 176 : index
        %parallel_loop3A_159 = tpu.vector_load %arg8[%parallel_loop3A_157, %parallel_loop3A_158] {strides = array<i32>} : memref<96x192xf32, #tpu.memory_space<vmem>>, vector<16xf32>,
        tpu.vector_store %arg8[%parallel_loop3A_157, %parallel_loop3A_158], %parallel_loop3A_156 {strides = array<i32>} : memref<96x192xf32, #tpu.memory_space<vmem>>, vector<16xf32>,
      } {sc.loop_unroll_factor = 4 : i64, sc.parallel_access}
      %mul3A_71 = arith.constant 96 : i32
      %mul3A_72 = arith.muli %add3A_50, %mul3A_71 : i32
      %add3A_73 = arith.addi %mul3A_2, %mul3A_72 : i32
      %dma_start3A_74 = arith.constant 0 : i32
      %dma_start3A_75 = tpu.memref_slice %arg4[%add3A_73, %dma_start3A_74] : memref<147456x192xf32, #tpu.memory_space<hbm>> -> memref<96x192xf32, #tpu.memory_space<hbm>>
      %dma_start3A_76 = arith.constant 0 : i32
      %dma_start3A_77 = tpu.memref_slice %arg4[%add3A_73, %dma_start3A_76] : memref<147456x192xf32, #tpu.memory_space<hbm>> -> memref<96x192xf32, #tpu.memory_space<hbm>>
      tpu.enqueue_dma source(%arg8 : memref<96x192xf32, #tpu.memory_space<vmem>>) target(%dma_start3A_77 : memref<96x192xf32, #tpu.memory_space<hbm>>) target_semaphore(%arg12 : memref<!tpu.dma_semaphore, #tpu.memory_space<semaphore_mem>>)
      %add3A_78 = arith.constant 2 : i32
      %add3A_79 = arith.addi %add3A_50, %add3A_78 : i32
      %lt3A = arith.constant 48 : i32
      %lt3A_80 = arith.cmpi slt, %add3A_79, %lt3A : i32
      %convert_element_type3A_81 = arith.extui %lt3A_80 : i1 to i32
      %cond3A_82 = arith.constant 0 : i32
      %cond3A_83 = arith.cmpi ne, %convert_element_type3A_81, %cond3A_82 : i32
      scf.if %cond3A_83 {
        %add3A_110 = arith.constant 2 : i32
        %add3A_111 = arith.addi %add3A_50, %add3A_110 : i32
        %mul3A_112 = arith.constant 96 : i32
        %mul3A_113 = arith.muli %add3A_111, %mul3A_112 : i32
        %add3A_114 = arith.addi %mul3A_2, %mul3A_113 : i32
        %dma_start3A_115 = arith.constant 0 : i32
        %dma_start3A_116 = tpu.memref_slice %arg2[%add3A_114, %dma_start3A_115] : memref<147456x384xf32, #tpu.memory_space<hbm>> -> memref<96x384xf32, #tpu.memory_space<hbm>>
        %dma_start3A_117 = arith.constant 0 : i32
        %dma_start3A_118 = tpu.memref_slice %arg2[%add3A_114, %dma_start3A_117] : memref<147456x384xf32, #tpu.memory_space<hbm>> -> memref<96x384xf32, #tpu.memory_space<hbm>>
        tpu.enqueue_dma source(%dma_start3A_118 : memref<96x384xf32, #tpu.memory_space<hbm>>) target(%arg6 : memref<96x384xf32, #tpu.memory_space<vmem>>) target_semaphore(%arg10 : memref<!tpu.dma_semaphore, #tpu.memory_space<semaphore_mem>>)
      } else {
      }
      %add3A_84 = arith.constant 1 : i32
      %add3A_85 = arith.addi %add3A_50, %add3A_84 : i32
      %mul3A_86 = arith.constant 96 : i32
      %mul3A_87 = arith.muli %add3A_85, %mul3A_86 : i32
      %add3A_88 = arith.addi %mul3A_2, %mul3A_87 : i32
      %dma_wait3A_89 = arith.constant 0 : i32
      %dma_wait3A_90 = tpu.memref_slice %arg2[%add3A_88, %dma_wait3A_89] : memref<147456x384xf32, #tpu.memory_space<hbm>> -> memref<96x384xf32, #tpu.memory_space<hbm>>
      %dma_wait3A_91 = arith.constant 0 : i32
      %dma_wait3A_92 = tpu.memref_slice %arg2[%add3A_88, %dma_wait3A_91] : memref<147456x384xf32, #tpu.memory_space<hbm>> -> memref<96x384xf32, #tpu.memory_space<hbm>>
      tpu.wait_dma2 semaphore(%arg11 : memref<!tpu.dma_semaphore, #tpu.memory_space<semaphore_mem>>) src(%dma_wait3A_92 : memref<96x384xf32, #tpu.memory_space<hbm>>) dst(%arg7 : memref<96x384xf32, #tpu.memory_space<vmem>>)
      %ge3A_93 = arith.constant 1 : i32
      %ge3A_94 = arith.cmpi sge, %add3A_50, %ge3A_93 : i32
      %convert_element_type3A_95 = arith.extui %ge3A_94 : i1 to i32
      %cond3A_96 = arith.constant 0 : i32
      %cond3A_97 = arith.cmpi ne, %convert_element_type3A_95, %cond3A_96 : i32
      scf.if %cond3A_97 {
        %sub3A = arith.constant 1 : i32
        %sub3A_110 = arith.subi %add3A_50, %sub3A : i32
        %mul3A_111 = arith.constant 96 : i32
        %mul3A_112 = arith.muli %sub3A_110, %mul3A_111 : i32
        %add3A_113 = arith.addi %mul3A_2, %mul3A_112 : i32
        %dma_wait3A_114 = arith.constant 0 : i32
        %dma_wait3A_115 = tpu.memref_slice %arg4[%add3A_113, %dma_wait3A_114] : memref<147456x192xf32, #tpu.memory_space<hbm>> -> memref<96x192xf32, #tpu.memory_space<hbm>>
        %dma_wait3A_116 = arith.constant 0 : i32
        %dma_wait3A_117 = tpu.memref_slice %arg4[%add3A_113, %dma_wait3A_116] : memref<147456x192xf32, #tpu.memory_space<hbm>> -> memref<96x192xf32, #tpu.memory_space<hbm>>
        tpu.wait_dma2 semaphore(%arg13 : memref<!tpu.dma_semaphore, #tpu.memory_space<semaphore_mem>>) src(%arg9 : memref<96x192xf32, #tpu.memory_space<vmem>>) dst(%dma_wait3A_117 : memref<96x192xf32, #tpu.memory_space<hbm>>)
      } else {
      }
      %parallel_loop3A_98 = arith.constant 0 : i32
      %parallel_loop3A_99 = arith.constant 96 : i32
      %parallel_loop3A_100 = arith.constant 1 : i32
      scf.for %parallel_loop3A_110 = %parallel_loop3A_98 to %parallel_loop3A_99 step %parallel_loop3A_100  : i32 {
        %parallel_loop3A_111 = vector.broadcast %parallel_loop3A_110 : i32 to vector<16xi32>
        %parallel_loop3A_112 = tpu.vector_load_idx %arg7[%parallel_loop3A_111, %get3A_3] : memref<96x384xf32, #tpu.memory_space<vmem>>[vector<16xi32>, vector<16xi32>], vector<16xf32>,
        %parallel_loop3A_113 = arith.index_cast %parallel_loop3A_110 : i32 to index
        %parallel_loop3A_114 = arith.constant 0 : index
        %parallel_loop3A_115 = tpu.vector_load %arg9[%parallel_loop3A_113, %parallel_loop3A_114] {strides = array<i32>} : memref<96x192xf32, #tpu.memory_space<vmem>>, vector<16xf32>,
        tpu.vector_store %arg9[%parallel_loop3A_113, %parallel_loop3A_114], %parallel_loop3A_112 {strides = array<i32>} : memref<96x192xf32, #tpu.memory_space<vmem>>, vector<16xf32>,
        %parallel_loop3A_116 = tpu.vector_load_idx %arg7[%parallel_loop3A_111, %get3A_5] : memref<96x384xf32, #tpu.memory_space<vmem>>[vector<16xi32>, vector<16xi32>], vector<16xf32>,
        %parallel_loop3A_117 = arith.index_cast %parallel_loop3A_110 : i32 to index
        %parallel_loop3A_118 = arith.constant 16 : index
        %parallel_loop3A_119 = tpu.vector_load %arg9[%parallel_loop3A_117, %parallel_loop3A_118] {strides = array<i32>} : memref<96x192xf32, #tpu.memory_space<vmem>>, vector<16xf32>,
        tpu.vector_store %arg9[%parallel_loop3A_117, %parallel_loop3A_118], %parallel_loop3A_116 {strides = array<i32>} : memref<96x192xf32, #tpu.memory_space<vmem>>, vector<16xf32>,
        %parallel_loop3A_120 = tpu.vector_load_idx %arg7[%parallel_loop3A_111, %get3A_7] : memref<96x384xf32, #tpu.memory_space<vmem>>[vector<16xi32>, vector<16xi32>], vector<16xf32>,
        %parallel_loop3A_121 = arith.index_cast %parallel_loop3A_110 : i32 to index
        %parallel_loop3A_122 = arith.constant 32 : index
        %parallel_loop3A_123 = tpu.vector_load %arg9[%parallel_loop3A_121, %parallel_loop3A_122] {strides = array<i32>} : memref<96x192xf32, #tpu.memory_space<vmem>>, vector<16xf32>,
        tpu.vector_store %arg9[%parallel_loop3A_121, %parallel_loop3A_122], %parallel_loop3A_120 {strides = array<i32>} : memref<96x192xf32, #tpu.memory_space<vmem>>, vector<16xf32>,
        %parallel_loop3A_124 = tpu.vector_load_idx %arg7[%parallel_loop3A_111, %get3A_9] : memref<96x384xf32, #tpu.memory_space<vmem>>[vector<16xi32>, vector<16xi32>], vector<16xf32>,
        %parallel_loop3A_125 = arith.index_cast %parallel_loop3A_110 : i32 to index
        %parallel_loop3A_126 = arith.constant 48 : index
        %parallel_loop3A_127 = tpu.vector_load %arg9[%parallel_loop3A_125, %parallel_loop3A_126] {strides = array<i32>} : memref<96x192xf32, #tpu.memory_space<vmem>>, vector<16xf32>,
        tpu.vector_store %arg9[%parallel_loop3A_125, %parallel_loop3A_126], %parallel_loop3A_124 {strides = array<i32>} : memref<96x192xf32, #tpu.memory_space<vmem>>, vector<16xf32>,
        %parallel_loop3A_128 = tpu.vector_load_idx %arg7[%parallel_loop3A_111, %get3A_11] : memref<96x384xf32, #tpu.memory_space<vmem>>[vector<16xi32>, vector<16xi32>], vector<16xf32>,
        %parallel_loop3A_129 = arith.index_cast %parallel_loop3A_110 : i32 to index
        %parallel_loop3A_130 = arith.constant 64 : index
        %parallel_loop3A_131 = tpu.vector_load %arg9[%parallel_loop3A_129, %parallel_loop3A_130] {strides = array<i32>} : memref<96x192xf32, #tpu.memory_space<vmem>>, vector<16xf32>,
        tpu.vector_store %arg9[%parallel_loop3A_129, %parallel_loop3A_130], %parallel_loop3A_128 {strides = array<i32>} : memref<96x192xf32, #tpu.memory_space<vmem>>, vector<16xf32>,
        %parallel_loop3A_132 = tpu.vector_load_idx %arg7[%parallel_loop3A_111, %get3A_13] : memref<96x384xf32, #tpu.memory_space<vmem>>[vector<16xi32>, vector<16xi32>], vector<16xf32>,
        %parallel_loop3A_133 = arith.index_cast %parallel_loop3A_110 : i32 to index
        %parallel_loop3A_134 = arith.constant 80 : index
        %parallel_loop3A_135 = tpu.vector_load %arg9[%parallel_loop3A_133, %parallel_loop3A_134] {strides = array<i32>} : memref<96x192xf32, #tpu.memory_space<vmem>>, vector<16xf32>,
        tpu.vector_store %arg9[%parallel_loop3A_133, %parallel_loop3A_134], %parallel_loop3A_132 {strides = array<i32>} : memref<96x192xf32, #tpu.memory_space<vmem>>, vector<16xf32>,
        %parallel_loop3A_136 = tpu.vector_load_idx %arg7[%parallel_loop3A_111, %get3A_15] : memref<96x384xf32, #tpu.memory_space<vmem>>[vector<16xi32>, vector<16xi32>], vector<16xf32>,
        %parallel_loop3A_137 = arith.index_cast %parallel_loop3A_110 : i32 to index
        %parallel_loop3A_138 = arith.constant 96 : index
        %parallel_loop3A_139 = tpu.vector_load %arg9[%parallel_loop3A_137, %parallel_loop3A_138] {strides = array<i32>} : memref<96x192xf32, #tpu.memory_space<vmem>>, vector<16xf32>,
        tpu.vector_store %arg9[%parallel_loop3A_137, %parallel_loop3A_138], %parallel_loop3A_136 {strides = array<i32>} : memref<96x192xf32, #tpu.memory_space<vmem>>, vector<16xf32>,
        %parallel_loop3A_140 = tpu.vector_load_idx %arg7[%parallel_loop3A_111, %get3A_17] : memref<96x384xf32, #tpu.memory_space<vmem>>[vector<16xi32>, vector<16xi32>], vector<16xf32>,
        %parallel_loop3A_141 = arith.index_cast %parallel_loop3A_110 : i32 to index
        %parallel_loop3A_142 = arith.constant 112 : index
        %parallel_loop3A_143 = tpu.vector_load %arg9[%parallel_loop3A_141, %parallel_loop3A_142] {strides = array<i32>} : memref<96x192xf32, #tpu.memory_space<vmem>>, vector<16xf32>,
        tpu.vector_store %arg9[%parallel_loop3A_141, %parallel_loop3A_142], %parallel_loop3A_140 {strides = array<i32>} : memref<96x192xf32, #tpu.memory_space<vmem>>, vector<16xf32>,
        %parallel_loop3A_144 = tpu.vector_load_idx %arg7[%parallel_loop3A_111, %get3A_19] : memref<96x384xf32, #tpu.memory_space<vmem>>[vector<16xi32>, vector<16xi32>], vector<16xf32>,
        %parallel_loop3A_145 = arith.index_cast %parallel_loop3A_110 : i32 to index
        %parallel_loop3A_146 = arith.constant 128 : index
        %parallel_loop3A_147 = tpu.vector_load %arg9[%parallel_loop3A_145, %parallel_loop3A_146] {strides = array<i32>} : memref<96x192xf32, #tpu.memory_space<vmem>>, vector<16xf32>,
        tpu.vector_store %arg9[%parallel_loop3A_145, %parallel_loop3A_146], %parallel_loop3A_144 {strides = array<i32>} : memref<96x192xf32, #tpu.memory_space<vmem>>, vector<16xf32>,
        %parallel_loop3A_148 = tpu.vector_load_idx %arg7[%parallel_loop3A_111, %get3A_21] : memref<96x384xf32, #tpu.memory_space<vmem>>[vector<16xi32>, vector<16xi32>], vector<16xf32>,
        %parallel_loop3A_149 = arith.index_cast %parallel_loop3A_110 : i32 to index
        %parallel_loop3A_150 = arith.constant 144 : index
        %parallel_loop3A_151 = tpu.vector_load %arg9[%parallel_loop3A_149, %parallel_loop3A_150] {strides = array<i32>} : memref<96x192xf32, #tpu.memory_space<vmem>>, vector<16xf32>,
        tpu.vector_store %arg9[%parallel_loop3A_149, %parallel_loop3A_150], %parallel_loop3A_148 {strides = array<i32>} : memref<96x192xf32, #tpu.memory_space<vmem>>, vector<16xf32>,
        %parallel_loop3A_152 = tpu.vector_load_idx %arg7[%parallel_loop3A_111, %get3A_23] : memref<96x384xf32, #tpu.memory_space<vmem>>[vector<16xi32>, vector<16xi32>], vector<16xf32>,
        %parallel_loop3A_153 = arith.index_cast %parallel_loop3A_110 : i32 to index
        %parallel_loop3A_154 = arith.constant 160 : index
        %parallel_loop3A_155 = tpu.vector_load %arg9[%parallel_loop3A_153, %parallel_loop3A_154] {strides = array<i32>} : memref<96x192xf32, #tpu.memory_space<vmem>>, vector<16xf32>,
        tpu.vector_store %arg9[%parallel_loop3A_153, %parallel_loop3A_154], %parallel_loop3A_152 {strides = array<i32>} : memref<96x192xf32, #tpu.memory_space<vmem>>, vector<16xf32>,
        %parallel_loop3A_156 = tpu.vector_load_idx %arg7[%parallel_loop3A_111, %get3A_25] : memref<96x384xf32, #tpu.memory_space<vmem>>[vector<16xi32>, vector<16xi32>], vector<16xf32>,
        %parallel_loop3A_157 = arith.index_cast %parallel_loop3A_110 : i32 to index
        %parallel_loop3A_158 = arith.constant 176 : index
        %parallel_loop3A_159 = tpu.vector_load %arg9[%parallel_loop3A_157, %parallel_loop3A_158] {strides = array<i32>} : memref<96x192xf32, #tpu.memory_space<vmem>>, vector<16xf32>,
        tpu.vector_store %arg9[%parallel_loop3A_157, %parallel_loop3A_158], %parallel_loop3A_156 {strides = array<i32>} : memref<96x192xf32, #tpu.memory_space<vmem>>, vector<16xf32>,
      } {sc.loop_unroll_factor = 4 : i64, sc.parallel_access}
      %add3A_101 = arith.constant 1 : i32
      %add3A_102 = arith.addi %add3A_50, %add3A_101 : i32
      %mul3A_103 = arith.constant 96 : i32
      %mul3A_104 = arith.muli %add3A_102, %mul3A_103 : i32
      %add3A_105 = arith.addi %mul3A_2, %mul3A_104 : i32
      %dma_start3A_106 = arith.constant 0 : i32
      %dma_start3A_107 = tpu.memref_slice %arg4[%add3A_105, %dma_start3A_106] : memref<147456x192xf32, #tpu.memory_space<hbm>> -> memref<96x192xf32, #tpu.memory_space<hbm>>
      %dma_start3A_108 = arith.constant 0 : i32
      %dma_start3A_109 = tpu.memref_slice %arg4[%add3A_105, %dma_start3A_108] : memref<147456x192xf32, #tpu.memory_space<hbm>> -> memref<96x192xf32, #tpu.memory_space<hbm>>
      tpu.enqueue_dma source(%arg9 : memref<96x192xf32, #tpu.memory_space<vmem>>) target(%dma_start3A_109 : memref<96x192xf32, #tpu.memory_space<hbm>>) target_semaphore(%arg13 : memref<!tpu.dma_semaphore, #tpu.memory_space<semaphore_mem>>)
    }
    %scan3A_34 = arith.constant 24 : i32
    %add3A_35 = arith.constant 4416 : i32
    %add3A_36 = arith.addi %mul3A_2, %add3A_35 : i32
    %dma_wait3A = arith.constant 0 : i32
    %dma_wait3A_37 = tpu.memref_slice %arg4[%add3A_36, %dma_wait3A] : memref<147456x192xf32, #tpu.memory_space<hbm>> -> memref<96x192xf32, #tpu.memory_space<hbm>>
    %dma_wait3A_38 = arith.constant 0 : i32
    %dma_wait3A_39 = tpu.memref_slice %arg4[%add3A_36, %dma_wait3A_38] : memref<147456x192xf32, #tpu.memory_space<hbm>> -> memref<96x192xf32, #tpu.memory_space<hbm>>
    tpu.wait_dma2 semaphore(%arg12 : memref<!tpu.dma_semaphore, #tpu.memory_space<semaphore_mem>>) src(%arg8 : memref<96x192xf32, #tpu.memory_space<vmem>>) dst(%dma_wait3A_39 : memref<96x192xf32, #tpu.memory_space<hbm>>)
    %add3A_40 = arith.constant 4512 : i32
    %add3A_41 = arith.addi %mul3A_2, %add3A_40 : i32
    %dma_wait3A_42 = arith.constant 0 : i32
    %dma_wait3A_43 = tpu.memref_slice %arg4[%add3A_41, %dma_wait3A_42] : memref<147456x192xf32, #tpu.memory_space<hbm>> -> memref<96x192xf32, #tpu.memory_space<hbm>>
    %dma_wait3A_44 = arith.constant 0 : i32
    %dma_wait3A_45 = tpu.memref_slice %arg4[%add3A_41, %dma_wait3A_44] : memref<147456x192xf32, #tpu.memory_space<hbm>> -> memref<96x192xf32, #tpu.memory_space<hbm>>
    tpu.wait_dma2 semaphore(%arg13 : memref<!tpu.dma_semaphore, #tpu.memory_space<semaphore_mem>>) src(%arg9 : memref<96x192xf32, #tpu.memory_space<vmem>>) dst(%dma_wait3A_45 : memref<96x192xf32, #tpu.memory_space<hbm>>)
    return
  }
}

</mosaic_0001>

<sc_bundles>
// kernel: kernel.3.cloned.1.call-start
scs
__scs_entry_jumppad:
0x0: {  	(pc) =	sbr.rel $0x88, $3  }
0x1: {  	(tag) =	ssettag $0x0;
	lr =	simm.s32 $0x1  }
0x2: {  	[smem:$0x3F9F] =	sst lr;
	_ =	strace $0xD0000000  }
0x3: {  	_ = 	snop  }
0x4: {  	_ = 	snop  }
0x5: {  	_ = 	snop  }
0x6: {  	_ = 	snop  }
0x7: {  	_ = 	snop  }
__scs_overlays_trampoline_lowered:
0x8: {  	[smem:$0x3FAE] =	sst s0  }
0x9: {  	[smem:$0x3FAF] =	sst s1  }
0xa: {  	[smem:$0x3FB0] =	sst s2  }
0xb: {  	[smem:$0x3FB1] =	sst s3  }
0xc: {  	[smem:$0x3FB2] =	sst s4  }
0xd: {  	[smem:$0x3FB3] =	sst s5  }
0xe: {  	[smem:$0x3FB4] =	sst s6  }
0xf: {  	[smem:$0x3FB5] =	sst s7  }
0x10: {  	[smem:$0x3FB6] =	sst s8  }
0x11: {  	[smem:$0x3FB7] =	sst s9;
	s0 =	simm.s32 @!p0 $0x0  }
0x12: {  	s1 =	sld [smem:$0x3F9D];
	s0 =	simm.s32 @p0 $0x1  }
0x13: {  	[smem:$0x3FB8] =	sst s0;
	s0 =	simm.s32 @!p1 $0x0  }
0x14: {  	s2 =	sld [smem:$0x3F9C];
	s0 =	simm.s32 @p1 $0x1  }
0x15: {  	[smem:$0x3FB9] =	sst s0;
	s0 =	simm.s32 @!p2 $0x0  }
0x16: {  	s3 =	sld [smem:$0x3FDB];
	s0 =	simm.s32 @p2 $0x1  }
0x17: {  	s4 =	simm.s32 $0x1BF5;
	[smem:$0x3FBB] =	sst s0  }
0x18: {  	s0 =	sld [smem:$0x3F9E];
	_ =	swait.ge [sflag:s4], $0x0  }
0x19: {  	s7 =	sld [smem:$0x3F9F]  }
0x1a: {  	s8 =	sadd.s32 $0xFFFFE003, lr  }
0x1b: {  	s9 =	sadd.s32 $0xFFFFFEF7, lr;
	s5 =	simm.s32 $0xFFFFFFFF;
	p2 =	slt.u32 s8, $0xFFFFF086  }
0x1c: {  	p1 =	slt.u32 s9, $0xF7A;
	s5 =	simm.s32 @!p2 $0x0  }
0x1d: {  	s5 =	simm.s32 @p1 $0x1;
	p0 =	seq.s32 s7, s2  }
0x1e: {  	s7 =	smul.u32 @!p0 $0xF7A, s2;
	p2 =	seq.s32 @!p0 s5, $0x0  }
0x1f: {  	s9 =	smul.u32 $0xF7A, s1;
	s8 =	simm.s32 @!p0 $0x1BF5;
	p2 =	por !p2, p0  }
0x20: {  	[sflag:s8] =	ssyncset.s32 @!p0 $0xFFFFF086;
	s6 =	sadd.s32 @!p0 s3, s7;
	s7 =	simm.s32 @!p0 $0x108  }
0x21: {  	s3 =	sadd.s32 s3, s9;
	s6 =	sadd.s32 @!p0 $0x88, s6;
	s7 =	simm.s32 @p2 $0x1082  }
0x22: {  	[simem:s7], [sflag:s8] =	dma.local @!p0 [hbm:s6], $0xF7A  }
0x23: {  	s9 =	sor.u32 $0xD0000000, s2;
	s6 =	simm.s32 $0x108;
	_ =	swait.ge @!p0 [sflag:s8], $0x0  }
0x24: {  	s3 =	sadd.s32 $0x88, s3;
	s6 =	simm.s32 @!p1 $0x1082;
	[sflag:s4] =	ssyncset.s32 $0xFFFFF086  }
0x25: {  	[simem:s6], [sflag:s4] =	dma.local [hbm:s3], $0xF7A  }
0x26: {  	[smem:$0x3F9F] =	sst s1;
	(tag) =	ssettag s2;
	_ =	strace s9  }
0x27: {  	s1 =	sld [smem:$0x3FAF]  }
0x28: {  	s2 =	sld [smem:$0x3FB0]  }
0x29: {  	s4 =	sld [smem:$0x3FB2]  }
0x2a: {  	p0 =	seq.s32 s5, $0x0;
	s5 =	sld [smem:$0x3FB3]  }
0x2b: {  	s6 =	sld [smem:$0x3FB4]  }
0x2c: {  	s7 =	sld [smem:$0x3FB5]  }
0x2d: {  	s3 =	simm.s32 $0x108;
	s8 =	sld [smem:$0x3FB6]  }
0x2e: {  	s3 =	simm.s32 @!p0 $0x1082;
	s9 =	sld [smem:$0x3FB7]  }
0x2f: {  	lr =	sadd.s32 s0, s3;
	s0 =	sld [smem:$0x3FAE]  }
0x30: {  	s3 =	sld [smem:$0x3FB1]  }
0x31: {  	[smem:$0x3FBA] =	sst s10  }
0x32: {  	s10 =	sld [smem:$0x3FB8];
	_ =	sdelay $0x3  }
0x33: {  	p0 =	seq.s32 s10, $0x1;
	s10 =	sld [smem:$0x3FBA];
	_ =	sdelay $0x3  }
0x34: {  	[smem:$0x3FBA] =	sst s10  }
0x35: {  	s10 =	sld [smem:$0x3FB9];
	_ =	sdelay $0x3  }
0x36: {  	p1 =	seq.s32 s10, $0x1;
	s10 =	sld [smem:$0x3FBA];
	_ =	sdelay $0x3  }
0x37: {  	[smem:$0x3FBA] =	sst s10  }
0x38: {  	s10 =	sld [smem:$0x3FBB]  }
0x39: {  	_ = 	snop;
	(pc) =	sbr.ind lr, $3  }
0x3a: {  	_ = 	snop  }
0x3b: {  	_ = 	snop  }
0x3c: {  	p2 =	seq.s32 s10, $0x1;
	s10 =	sld [smem:$0x3FBA]  }
0x3d: {  	_ =	shalt  }
0x3e: {  	_ =	shalt  }
0x3f: {  	_ =	shalt  }
0x40: {  	_ =	shalt  }
0x41: {  	_ =	shalt  }
0x42: {  	_ =	shalt  }
0x43: {  	_ =	shalt  }
0x44: {  	_ =	shalt  }
0x45: {  	_ =	shalt  }
0x46: {  	_ =	shalt  }
0x47: {  	_ =	shalt  }
0x48: {  	_ =	shalt  }
0x49: {  	_ =	shalt  }
0x4a: {  	_ =	shalt  }
0x4b: {  	_ =	shalt  }
0x4c: {  	_ =	shalt  }
0x4d: {  	_ =	shalt  }
0x4e: {  	_ =	shalt  }
0x4f: {  	_ =	shalt  }
0x50: {  	_ =	shalt  }
0x51: {  	_ =	shalt  }
0x52: {  	_ =	shalt  }
0x53: {  	_ =	shalt  }
0x54: {  	_ =	shalt  }
0x55: {  	_ =	shalt  }
0x56: {  	_ =	shalt  }
0x57: {  	_ =	shalt  }
0x58: {  	_ =	shalt  }
0x59: {  	_ =	shalt  }
0x5a: {  	_ =	shalt  }
0x5b: {  	_ =	shalt  }
0x5c: {  	_ =	shalt  }
0x5d: {  	_ =	shalt  }
0x5e: {  	_ =	shalt  }
0x5f: {  	_ =	shalt  }
0x60: {  	_ =	shalt  }
0x61: {  	_ =	shalt  }
0x62: {  	_ =	shalt  }
0x63: {  	_ =	shalt  }
0x64: {  	_ =	shalt  }
0x65: {  	_ =	shalt  }
0x66: {  	_ =	shalt  }
0x67: {  	_ =	shalt  }
0x68: {  	_ =	shalt  }
0x69: {  	_ =	shalt  }
0x6a: {  	_ =	shalt  }
0x6b: {  	_ =	shalt  }
0x6c: {  	_ =	shalt  }
0x6d: {  	_ =	shalt  }
0x6e: {  	_ =	shalt  }
0x6f: {  	_ =	shalt  }
0x70: {  	_ =	shalt  }
0x71: {  	_ =	shalt  }
0x72: {  	_ =	shalt  }
0x73: {  	_ =	shalt  }
0x74: {  	_ =	shalt  }
0x75: {  	_ =	shalt  }
0x76: {  	_ =	shalt  }
0x77: {  	_ =	shalt  }
0x78: {  	_ =	shalt  }
0x79: {  	_ =	shalt  }
0x7a: {  	_ =	shalt  }
0x7b: {  	_ =	shalt  }
0x7c: {  	_ =	shalt  }
0x7d: {  	_ =	shalt  }
0x7e: {  	_ =	shalt  }
0x7f: {  	_ =	shalt  }
0x80: {  	_ =	shalt  }
0x81: {  	_ =	shalt  }
0x82: {  	_ =	shalt  }
0x83: {  	_ =	shalt  }
0x84: {  	_ =	shalt  }
0x85: {  	_ =	shalt  }
0x86: {  	_ =	shalt  }
0x87: {  	_ =	shalt  }
.Lfunc_end0:
.L_simem_size_0:
called_computation_lowered:
.L_overlay_start_0:
0x88: {  	s2 =	sld [smem:$0x3FD9]  }
0x89: {  	s3 =	sld [smem:$0x3FFE];
	_ =	sdelay $0x1  }
0x8a: {  	s1 =	srdreg.scid  }
0x8b: {  	s0 =	sand.u32 $0x1, s1  }
0x8c: {  	s18 =	sshll.u32 s0, $0xA;
	s2 =	sadd.s32 s3, s2  }
0x8d: {  	s2 =	sadd.s32 s2, s18  }
0x8e: {  	[smem:$0x3FC6] =	sst s2  }
0x8f: {  	_ = 	snop  }
0x90: {  	s2 =	sld [smem:$0x3FC9]  }
0x91: {  	s19 =	sld [smem:$0x3FC8]  }
0x92: {  	s4 =	sld [smem:$0x3FD0];
	(tm) =	ssettm $0x1  }
0x93: {  	s5 =	sld [smem:$0x3FFB];
	_ =	sdelay $0x3  }
0x94: {  	_ =	strace s5  }
0x95: {  	s5 =	sld [smem:$0x3FFC];
	_ =	sdelay $0x3  }
0x96: {  	_ =	strace s5  }
0x97: {  	s5 =	sld [smem:$0x3FFD];
	_ =	sdelay $0x3  }
0x98: {  	_ =	strace s5  }
0x99: {  	_ =	strace $0x8FFFFFFF  }
0x9a: {  	s20 =	sld [smem:$0x3FDB];
	_ =	sdelay $0x1  }
0x9b: {  	s6 =	simm.s32 $_scs_section_size  }
0x9c: {  	s7 =	simm.s32 $_size__tile_overlayer_lowered;
	s8 =	simm.s32 $_tile_overlayer_lowered  }
0x9d: {  	s23 =	simm.s32 $0x1BFF;
	s22 =	sshll.u32 s8, $0x1;
	s5 =	sadd.s32 s6, s20  }
0x9e: {  	s9 =	simm.s32 $0x0;
	s21 =	sshll.u32 s7, $0x1;
	s7 =	sadd.s32 s22, s5  }
0x9f: {  	[timem:s9], [sflag:s23] =	dma.local [hbm:s7], s21  }
0xa0: {  	_ =	swait.ge [sflag:s23], s21  }
0xa1: {  	s6 =	ssub.s32 $0x0, s21;
	[sflag:s23] =	ssyncset.done $0x0  }
0xa2: {  	[sflag:s23] =	ssyncadd.s32 s6;
	_ =	sdelay $0x1  }
0xa3: {  	s24 =	simm.s32 $0x1B8B  }
0xa4: {  	_ =	swait.ge [sflag:s24], $0x1  }
0xa5: {  	[sflag:s24] =	ssyncset.done $0x0  }
0xa6: {  	s25 =	simm.s32 $0x1B8E;
	[sflag:s24] =	ssyncadd.s32 $0xFFFFFFFF  }
0xa7: {  	s26 =	simm.s32 $execute0_lowered;
	[smem:$0x3FD2] =	sst s25  }
0xa8: {  	s6 =	sshll.u32 s26, $0x1;
	_ =	strace $0x80000046;
	[dreg:$0x1] =	wrdreg $0xFFFFFFFF  }
0xa9: {  	s28 =	simm.s32 $_size_execute0_lowered;
	s5 =	sadd.s32 s5, s6;
	[dreg:$0x0] =	wrdreg $0x0  }
0xaa: {  	s6 =	sshll.u32 s28, $0x1;
	[dreg:$0x2] =	wrdreg s5  }
0xab: {  	[dreg:$0x3] =	wrdreg s6  }
0xac: {  	[dreg:$0x4] =	wrdreg $0xC0  }
0xad: {  	_ =	task [dreg:s9], $0x5FFFF  }
0xae: {  	[dreg:$0x1] =	wrdreg $0xFFFFFFFF  }
0xaf: {  	[dreg:$0x0] =	wrdreg $0x60  }
0xb0: {  	[dreg:$0x2] =	wrdreg s2  }
0xb1: {  	[dreg:$0x3] =	wrdreg s19  }
0xb2: {  	[dreg:$0x4] =	wrdreg s4  }
0xb3: {  	[dreg:$0x5] =	wrdreg $0x9  }
0xb4: {  	_ =	task.clear_ibuf [dreg:s9], $0x6FFFF;
	_ =	strace $0x90000046  }
0xb5: {  	s29 =	simm.s32 $0x9;
	_ =	strace $0x80000048  }
0xb6: {  	_ =	swait.ge [sflag:s29], $0x1  }
0xb7: {  	[sflag:s29] =	ssyncadd.s32 $0xFFFFFFFF  }
0xb8: {  	_ =	strace $0x90000048  }
0xb9: {  	_ =	sfence  }
0xba: {  	s30 =	sld [smem:$0x0];
	_ =	sdelay $0x2  }
0xbb: {  	s31 =	sshll.u32 s1, $0xD;
	s1 =	sshrl.u32 s1, $0x2  }
0xbc: {  	s3 =	sand.u32 $0x4000, s31;
	s1 =	sadd.s32 s1, s30  }
0xbd: {  	s0 =	sor.u32 s3, s0;
	s1 =	sshll.u32 s1, $0x11  }
0xbe: {  	s0 =	sor.u32 s1, s0  }
0xbf: {  	s0 =	sadd.s32 $0x8F2B, s0  }
0xc0: {  	[sflag:s0] =	ssyncadd.remote.s32 $0x1  }
0xc1: {  	_ =	sfence.sel $0xFFFF  }
0xc2: {  	[dreg:$0x0] =	wrdreg $0xFFFFFFFF;
	(pc) =	sbr.abs _section_cstart, $3  }
0xc3: {  	[dreg:$0x1] =	wrdreg $0xFFFFFFFF  }
0xc4: {  	_ =	task.clear_ibuf [dreg:s9], $0x2FFFF;
	_ =	strace $0x9FFFFFFF  }
0xc5: {  	(tm) =	ssettm $0x7FFFFFFF  }
tec
execute0_lowered:
.L_overlay_start_1:
0x0: {  	(tag) =	ssettag $0x1  }
0x1: {  	s0 =	srdreg.scid;
	s1 =	stileid.u32  }
0x2: {  	s0 =	sand.u32 $0x1, s0;
	s1 =	sshll.u32 s1, $0x1  }
0x3: {  	s5 =	simm.s32 $0x0;
	s1 =	sor.u32 s0, s1;
	s0 =	ssub.s32 $0x2, s0  }
0x4: {  	[smem:$0x7FF] =	sst s5;
	s4 =	smul.u32 $0x1200, s1;
	s2 =	sshrl.u32 s0, $0x1  }
0x5: {  	s3 =	rddreg [dreg:$0x0];
	_ =	strace $0x80000047;
	s0 =	ssub.s32 s0, s2  }
0x6: {  	s1 =	sshrl.u32 s4, $0x3;
	s30 =	sor.u32 $0x60, s4;
	[dreg:$0x4] =	wrdreg s4  }
0x7: {  	s31 =	sor.u32 $0xC0, s4;
	s1 =	smul.u32 $0x180, s1;
	[dreg:$0x6] =	wrdreg s30  }
0x8: {  	s0 =	smax.u32 s0, $0x1;
	[dreg:$0x7] =	wrdreg s31  }
0x9: {  	s12 =	simm.s32 $0x100;
	[dreg:$0x8] =	wrdreg s0;
	s1 =	sadd.s32 s3, s1  }
0xa: {  	s13 =	simm.s32 $0x9100;
	s2 =	simm.s32 $0x0;
	[dreg:$0x5] =	wrdreg s1  }
.LBB2_1:
0xb: {  	[dreg:$0x9] =	wrdreg s2  }
0xc: {  	s0 =	rddreg [dreg:$0x1];
	s30 =	simm.s32 $0x5  }
0xd: {  	[tilespmem:s5], [sflag:$0x5] =	stream.linear.gather [hbm4b:s0+s5], $0x100, $0x38;
	[tilespmem:$0x1E100] =	vst v63  }
0xe: {  	_ =	swait.ge [sflag:s30], $0x100  }
0xf: {  	[sflag:s30] =	ssyncset.done $0x0  }
0x10: {  	[sflag:s30] =	ssyncadd.s32 $0xFFFFFF00  }
0x11: {  	v1 =	vld [tilespmem:$0x0]  }
0x12: {  	v2 =	vld [tilespmem:$0x10]  }
0x13: {  	v5 =	vld [tilespmem:$0x20]  }
0x14: {  	v6 =	vld [tilespmem:$0x30]  }
0x15: {  	v9 =	vld [tilespmem:$0x40]  }
0x16: {  	v10 =	vld [tilespmem:$0x50]  }
0x17: {  	v13 =	vld [tilespmem:$0x60]  }
0x18: {  	v14 =	vld [tilespmem:$0x70]  }
0x19: {  	v17 =	vld [tilespmem:$0x80]  }
0x1a: {  	v18 =	vld [tilespmem:$0x90];
	v0 =	vand.u32 $0x7F, v1;
	v1 =	vshll.u32 v1, $0x3;
	v3 =	vshll.u32 v2, $0x3  }
0x1b: {  	v21 =	vld [tilespmem:$0xA0];
	v2 =	vand.u32 $0x7F, v2;
	v4 =	vand.u32 $0x7F, v5;
	v5 =	vshll.u32 v5, $0x3  }
0x1c: {  	v22 =	vld [tilespmem:$0xB0];
	v7 =	vshll.u32 v6, $0x3;
	v6 =	vand.u32 $0x7F, v6;
	v8 =	vand.u32 $0x7F, v9  }
0x1d: {  	v9 =	vshll.u32 v9, $0x3;
	v11 =	vshll.u32 v10, $0x3;
	v10 =	vand.u32 $0x7F, v10  }
0x1e: {  	v12 =	vand.u32 $0x7F, v13;
	v13 =	vshll.u32 v13, $0x3;
	v15 =	vshll.u32 v14, $0x3  }
0x1f: {  	v14 =	vand.u32 $0x7F, v14;
	v16 =	vand.u32 $0x7F, v17;
	v17 =	vshll.u32 v17, $0x3  }
0x20: {  	v19 =	vshll.u32 v18, $0x3;
	v18 =	vand.u32 $0x7F, v18;
	v20 =	vand.u32 $0x7F, v21  }
0x21: {  	v21 =	vshll.u32 v21, $0x3;
	v23 =	vshll.u32 v22, $0x3;
	v22 =	vand.u32 $0x7F, v22  }
0x22: {  	v1 =	vand.u32 $0xFFFFFC00, v1;
	v3 =	vand.u32 $0xFFFFFC00, v3;
	v5 =	vand.u32 $0xFFFFFC00, v5  }
0x23: {  	v7 =	vand.u32 $0xFFFFFC00, v7;
	v9 =	vand.u32 $0xFFFFFC00, v9;
	v11 =	vand.u32 $0xFFFFFC00, v11  }
0x24: {  	s21 =	simm.s32 $0x0;
	s31 =	rddreg [dreg:$0x5];
	v13 =	vand.u32 $0xFFFFFC00, v13;
	v15 =	vand.u32 $0xFFFFFC00, v15;
	v17 =	vand.u32 $0xFFFFFC00, v17  }
0x25: {  	[tilespmem:s12], [sflag:$0x1] =	stream.linear.gather [hbm4b:s31+s5], $0x9000, $0x38;
	v19 =	vand.u32 $0xFFFFFC00, v19;
	v21 =	vand.u32 $0xFFFFFC00, v21;
	v23 =	vand.u32 $0xFFFFFC00, v23;
	[tilespmem:$0x1E100] =	vst v63  }
.LBB2_2:
0x26: {  	s14 =	smul.u32 $0xC0, s21;
	s25 =	simm.s32 $0x0;
	s8 =	simm.s32 $0x1  }
0x27: {  	s0 =	rddreg [dreg:$0x6];
	s1 =	simm.s32 $0x3;
	s24 =	simm.s32 $0x2;
	v24 =	vmov s25;
	v25 =	vmov s8  }
0x28: {  	v26 =	vmov s1;
	v28 =	vmov s24;
	s2 =	sadd.s32 s14, s0;
	v27 =	vshll.u32 v24, $0x7  }
0x29: {  	v24 =	vshrl.u32 v24, $0x3;
	v29 =	vshll.u32 v25, $0x7;
	v30 =	vshrl.u32 v26, $0x3;
	[dreg:$0xa] =	wrdreg s2;
	s2 =	sshrl.u32 s2, $0x3  }
0x2a: {  	v32 =	vshll.u32 v28, $0x7;
	v25 =	vshrl.u32 v25, $0x3;
	v28 =	vshrl.u32 v28, $0x3;
	s9 =	smul.u32 $0x180, s2  }
0x2b: {  	s10 =	rddreg [dreg:$0x0];
	v26 =	vshll.u32 v26, $0x7;
	v30 =	vmul.u32 $0xC00, v30;
	v25 =	vmul.u32 $0xC00, v25  }
0x2c: {  	s11 =	simm.s32 $0x1;
	v29 =	vand.u32 $0x280, v29;
	v31 =	vand.u32 $0x380, v26;
	v26 =	vmul.u32 $0xC00, v28;
	s0 =	sadd.s32 s10, s9  }
0x2d: {  	v24 =	vmul.u32 $0xC00, v24;
	v33 =	vadd.s32 v1, v30;
	v28 =	vadd.s32 v1, v25;
	[tilespmem:s13], [sflag:$0x2] =	stream.linear.gather [hbm4b:s0+s5], $0x9000, $0x38;
	[tilespmem:$0x1E100] =	vst v63  }
0x2e: {  	v34 =	vadd.s32 v1, v26;
	v33 =	vor.u32 v31, v33;
	v28 =	vor.u32 v29, v28;
	_ =	swait.ge [sflag:s11], $0x9000  }
0x2f: {  	p0 =	seq.s32 s21, $0x0;
	v33 =	vor.u32 v0, v33;
	v35 =	vor.u32 v0, v28;
	v28 =	vand.u32 $0x300, v32;
	[sflag:s11] =	ssyncset.done $0x0  }
0x30: {  	v27 =	vand.u32 $0x200, v27;
	v51 =	vadd.s32 v1, v24;
	s0 =	simm.s32 @!p0 $0x3;
	v34 =	vor.u32 v28, v34;
	[sflag:s11] =	ssyncadd.s32 $0xFFFF7000  }
0x31: {  	v32 =	vor.u32 v27, v51;
	v34 =	vor.u32 v0, v34;
	_ =	swait.ge @!p0 [sflag:s0], $0x6000  }
0x32: {  	v32 =	vor.u32 v0, v32;
	[sflag:s0] =	ssyncset.done @!p0 $0x0  }
0x33: {  	v36 =	vadd.s32 v3, v30;
	v37 =	vadd.s32 v3, v25;
	v38 =	vadd.s32 v3, v26;
	[sflag:s0] =	ssyncadd.s32 @!p0 $0xFFFFA000  }
0x34: {  	v39 =	vadd.s32 v3, v24;
	v52 =	vadd.s32 v5, v30;
	v36 =	vor.u32 v31, v36;
	v33 =	vld.idx.msk [tilespmem:v33+s12+$0x0], $0xffff  }
0x35: {  	v40 =	vadd.s32 v5, v25;
	v37 =	vor.u32 v29, v37;
	v36 =	vor.u32 v2, v36;
	v35 =	vld.idx.msk [tilespmem:v35+s12+$0x0], $0xffff  }
0x36: {  	s15 =	simm.s32 $0x180;
	s16 =	sand.u32 $0x7800, s25;
	v54 =	vadd.s32 v5, v26;
	v37 =	vor.u32 v2, v37;
	v38 =	vor.u32 v28, v38;
	v34 =	vld.idx.msk [tilespmem:v34+s12+$0x0], $0xffff  }
0x37: {  	s3 =	simm.s32 $0x80;
	s17 =	sadd.s32 $0x12100, s16;
	v56 =	vadd.s32 v5, v24;
	v39 =	vor.u32 v27, v39;
	v38 =	vor.u32 v2, v38;
	s0 =	sand.u32 $0x380, s15;
	v32 =	vld.idx.msk [tilespmem:v32+s12+$0x0], $0xffff  }
0x38: {  	s19 =	simm.s32 $0x100;
	s18 =	sand.u32 $0x280, s3;
	v59 =	vadd.s32 v7, v30;
	v60 =	vadd.s32 v7, v24;
	v39 =	vor.u32 v2, v39;
	s1 =	sadd.s32 s0, s17  }
0x39: {  	s4 =	simm.s32 $0x0;
	s3 =	sand.u32 $0x300, s19;
	v61 =	vadd.s32 v7, v25;
	v44 =	vadd.s32 v7, v26;
	v46 =	vadd.s32 v9, v30;
	s0 =	sor.u32 s18, s17;
	[tilespmem:s1+$0x0] =	vst v33  }
0x3a: {  	s4 =	sand.u32 $0x200, s4;
	s3 =	sadd.s32 s3, s17;
	v47 =	vadd.s32 v9, v24;
	[tilespmem:s0+$0x0] =	vst v35;
	v33 =	vor.u32 v31, v52;
	v36 =	vld.idx.msk [tilespmem:v36+s12+$0x0], $0xffff  }
0x3b: {  	s7 =	sor.u32 s4, s17;
	v53 =	vor.u32 v29, v40;
	[tilespmem:s3+$0x0] =	vst v34;
	v35 =	vld.idx.msk [tilespmem:v37+s12+$0x0], $0xffff;
	v33 =	vor.u32 v4, v33  }
0x3c: {  	v55 =	vor.u32 v4, v53;
	v58 =	vor.u32 v28, v54;
	[tilespmem:s7+$0x0] =	vst v32;
	v57 =	vld.idx.msk [tilespmem:v38+s12+$0x0], $0xffff  }
0x3d: {  	v41 =	vadd.s32 v9, v25;
	v39 =	vld.idx.msk [tilespmem:v39+s12+$0x0], $0xffff;
	v37 =	vor.u32 v27, v56;
	v38 =	vor.u32 v4, v58  }
0x3e: {  	v50 =	vadd.s32 v9, v26;
	v63 =	vor.u32 v29, v61;
	v37 =	vor.u32 v4, v37  }
0x3f: {  	v40 =	vor.u32 v31, v46;
	v49 =	vor.u32 v29, v41;
	v46 =	vadd.s32 v23, v24;
	[tilespmem:s1+$0x10] =	vst v36  }
0x40: {  	v41 =	vadd.s32 v21, v26;
	[tilespmem:s0+$0x10] =	vst v35;
	v36 =	vor.u32 v31, v59;
	v33 =	vld.idx.msk [tilespmem:v33+s12+$0x0], $0xffff  }
0x41: {  	s20 =	simm.s32 $0x4;
	v42 =	vor.u32 v8, v40;
	[tilespmem:s3+$0x10] =	vst v57;
	v34 =	vld.idx.msk [tilespmem:v55+s12+$0x0], $0xffff;
	v62 =	vor.u32 v6, v36  }
0x42: {  	v48 =	vmov s20;
	v45 =	vor.u32 v28, v44;
	[tilespmem:s7+$0x10] =	vst v39;
	v38 =	vld.idx.msk [tilespmem:v38+s12+$0x0], $0xffff;
	v36 =	vor.u32 v6, v63  }
0x43: {  	v51 =	vshll.u32 v48, $0x7;
	v35 =	vor.u32 v27, v60;
	v39 =	vor.u32 v6, v45;
	v37 =	vld.idx.msk [tilespmem:v37+s12+$0x0], $0xffff  }
0x44: {  	v43 =	vor.u32 v8, v49;
	v41 =	vor.u32 v28, v41;
	v35 =	vor.u32 v6, v35  }
0x45: {  	v40 =	vand.u32 $0x200, v51;
	v51 =	vadd.s32 v19, v24;
	v41 =	vor.u32 v20, v41;
	[tilespmem:s1+$0x20] =	vst v33  }
0x46: {  	v52 =	vor.u32 v28, v50;
	v50 =	vadd.s32 v17, v24;
	[tilespmem:s0+$0x20] =	vst v34;
	v32 =	vld.idx.msk [tilespmem:v62+s12+$0x0], $0xffff  }
0x47: {  	v54 =	vor.u32 v8, v52;
	v56 =	vadd.s32 v11, v30;
	[tilespmem:s3+$0x20] =	vst v38;
	v36 =	vld.idx.msk [tilespmem:v36+s12+$0x0], $0xffff  }
0x48: {  	v58 =	vadd.s32 v11, v25;
	v52 =	vadd.s32 v13, v24;
	[tilespmem:s7+$0x20] =	vst v37;
	v53 =	vld.idx.msk [tilespmem:v39+s12+$0x0], $0xffff  }
0x49: {  	s22 =	simm.s32 $0x5;
	v57 =	vadd.s32 v11, v24;
	v59 =	vor.u32 v29, v58;
	v60 =	vadd.s32 v11, v26;
	v35 =	vld.idx.msk [tilespmem:v35+s12+$0x0], $0xffff  }
0x4a: {  	v55 =	vmov s22;
	v63 =	vadd.s32 v21, v24;
	v34 =	vshrl.u32 v48, $0x3  }
0x4b: {  	v33 =	vor.u32 v27, v47;
	v38 =	vshll.u32 v55, $0x7;
	v37 =	vor.u32 v27, v63;
	[tilespmem:s1+$0x30] =	vst v32  }
0x4c: {  	v63 =	vadd.s32 v15, v30;
	v45 =	vor.u32 v8, v33;
	v33 =	vor.u32 v31, v56;
	[tilespmem:s0+$0x30] =	vst v36  }
0x4d: {  	v62 =	vor.u32 v28, v60;
	v37 =	vor.u32 v20, v37;
	v48 =	vor.u32 v10, v33;
	[tilespmem:s3+$0x30] =	vst v53  }
0x4e: {  	v33 =	vmul.u32 $0xC00, v34;
	v34 =	vor.u32 v10, v59;
	v59 =	vadd.s32 v13, v26;
	[tilespmem:s7+$0x30] =	vst v35;
	v42 =	vld.idx.msk [tilespmem:v42+s12+$0x0], $0xffff  }
0x4f: {  	v32 =	vor.u32 v27, v57;
	v35 =	vor.u32 v10, v62;
	v53 =	vadd.s32 v15, v24;
	v61 =	vld.idx.msk [tilespmem:v43+s12+$0x0], $0xffff  }
0x50: {  	v24 =	vadd.s32 v13, v30;
	v36 =	vadd.s32 v5, v33;
	v57 =	vadd.s32 v13, v25;
	v39 =	vld.idx.msk [tilespmem:v54+s12+$0x0], $0xffff  }
0x51: {  	v62 =	vor.u32 v27, v52;
	v45 =	vld.idx.msk [tilespmem:v45+s12+$0x0], $0xffff;
	v49 =	vor.u32 v10, v32;
	v32 =	vadd.s32 v7, v33  }
0x52: {  	v24 =	vor.u32 v31, v24;
	v58 =	vor.u32 v29, v57;
	v57 =	vadd.s32 v1, v33  }
0x53: {  	v53 =	vor.u32 v27, v53;
	v36 =	vor.u32 v40, v36;
	v54 =	vor.u32 v12, v24;
	[tilespmem:s1+$0x40] =	vst v42  }
0x54: {  	v43 =	vshrl.u32 v55, $0x3;
	v60 =	vor.u32 v12, v58;
	v58 =	vor.u32 v12, v62;
	[tilespmem:s0+$0x40] =	vst v61;
	v42 =	vld.idx.msk [tilespmem:v48+s12+$0x0], $0xffff  }
0x55: {  	s23 =	simm.s32 $0x6;
	v24 =	vand.u32 $0x280, v38;
	v38 =	vadd.s32 v23, v25;
	v53 =	vor.u32 v14, v53;
	[tilespmem:s3+$0x40] =	vst v39;
	v55 =	vld.idx.msk [tilespmem:v34+s12+$0x0], $0xffff  }
0x56: {  	v44 =	vmov s23;
	v57 =	vor.u32 v40, v57;
	[tilespmem:s7+$0x40] =	vst v45;
	v61 =	vor.u32 v28, v59;
	v56 =	vld.idx.msk [tilespmem:v35+s12+$0x0], $0xffff  }
0x57: {  	v36 =	vor.u32 v4, v36;
	v32 =	vor.u32 v40, v32;
	v52 =	vor.u32 v12, v61;
	v49 =	vld.idx.msk [tilespmem:v49+s12+$0x0], $0xffff  }
0x58: {  	v32 =	vor.u32 v6, v32;
	v39 =	vadd.s32 v3, v33;
	v59 =	vadd.s32 v15, v25  }
0x59: {  	v34 =	vor.u32 v27, v46;
	v35 =	vadd.s32 v23, v26;
	v46 =	vor.u32 v31, v63;
	[tilespmem:s1+$0x50] =	vst v42  }
0x5a: {  	v47 =	vshll.u32 v44, $0x7;
	v61 =	vadd.s32 v15, v26;
	v46 =	vor.u32 v14, v46;
	[tilespmem:s0+$0x50] =	vst v55;
	v54 =	vld.idx.msk [tilespmem:v54+s12+$0x0], $0xffff  }
0x5b: {  	v48 =	vshrl.u32 v44, $0x3;
	v62 =	vor.u32 v28, v61;
	[tilespmem:s3+$0x50] =	vst v56;
	v45 =	vld.idx.msk [tilespmem:v60+s12+$0x0], $0xffff;
	v60 =	vor.u32 v29, v59  }
0x5c: {  	v42 =	vmul.u32 $0xC00, v43;
	v43 =	vmul.u32 $0xC00, v48;
	[tilespmem:s7+$0x50] =	vst v49;
	v52 =	vld.idx.msk [tilespmem:v52+s12+$0x0], $0xffff;
	v48 =	vor.u32 v14, v60  }
0x5d: {  	v44 =	vadd.s32 v21, v25;
	v49 =	vor.u32 v27, v51;
	v51 =	vor.u32 v14, v62;
	v56 =	vld.idx.msk [tilespmem:v58+s12+$0x0], $0xffff  }
0x5e: {  	v55 =	vadd.s32 v19, v25;
	v27 =	vor.u32 v27, v50;
	v50 =	vadd.s32 v19, v26  }
0x5f: {  	v25 =	vadd.s32 v17, v25;
	[tilespmem:s1+$0x60] =	vst v54;
	v54 =	vadd.s32 v17, v26;
	v26 =	vadd.s32 v17, v30  }
0x60: {  	s26 =	simm.s32 $0x7;
	v25 =	vor.u32 v29, v25;
	[tilespmem:s0+$0x60] =	vst v45;
	v46 =	vld.idx.msk [tilespmem:v46+s12+$0x0], $0xffff;
	v26 =	vor.u32 v31, v26  }
0x61: {  	v59 =	vmov s26;
	v58 =	vadd.s32 v1, v42;
	[tilespmem:s3+$0x60] =	vst v52;
	v48 =	vld.idx.msk [tilespmem:v48+s12+$0x0], $0xffff;
	v60 =	vor.u32 v16, v26  }
0x62: {  	[tilespmem:s7+$0x60] =	vst v56;
	v56 =	vor.u32 v16, v25;
	v51 =	vld.idx.msk [tilespmem:v51+s12+$0x0], $0xffff;
	v25 =	vor.u32 v28, v54;
	v26 =	vshrl.u32 v59, $0x3  }
0x63: {  	v63 =	vshll.u32 v59, $0x7;
	v53 =	vld.idx.msk [tilespmem:v53+s12+$0x0], $0xffff;
	v59 =	vor.u32 v16, v25;
	v26 =	vmul.u32 $0xC00, v26  }
0x64: {  	v45 =	vadd.s32 v1, v43;
	v52 =	vor.u32 v0, v57;
	v57 =	vor.u32 v16, v27  }
0x65: {  	v27 =	vand.u32 $0x380, v63;
	v25 =	vor.u32 v24, v58;
	v61 =	vadd.s32 v1, v26;
	[tilespmem:s1+$0x70] =	vst v46  }
0x66: {  	v46 =	vor.u32 v0, v25;
	v54 =	vor.u32 v27, v61;
	v25 =	vand.u32 $0x300, v47;
	[tilespmem:s0+$0x70] =	vst v48;
	v58 =	vld.idx.msk [tilespmem:v60+s12+$0x0], $0xffff  }
0x67: {  	p1 =	por $0x0, $0x0;
	s4 =	sand.u32 $0x7, s25;
	s2 =	simm.s32 $0x1;
	[tilespmem:s3+$0x70] =	vst v51;
	v62 =	vor.u32 v0, v54;
	v45 =	vor.u32 v25, v45;
	v54 =	vld.idx.msk [tilespmem:v56+s12+$0x0], $0xffff  }
0x68: {  	s6 =	sand.u32 $0x3, s25;
	s2 =	simm.s32 @!p1 $0x0;
	s5 =	sshll.u32 s4, $0x7;
	v50 =	vor.u32 v28, v50;
	[tilespmem:s7+$0x70] =	vst v53;
	v53 =	vld.idx.msk [tilespmem:v59+s12+$0x0], $0xffff;
	v45 =	vor.u32 v0, v45  }
0x69: {  	s8 =	sshll.u32 s2, $0x9;
	v39 =	vor.u32 v40, v39;
	v50 =	vor.u32 v18, v50;
	s0 =	sadd.s32 $0x0, s5;
	s1 =	sshll.u32 s6, $0x8;
	v60 =	vadd.s32 v19, v30;
	v56 =	vld.idx.msk [tilespmem:v57+s12+$0x0], $0xffff  }
0x6a: {  	s2 =	sadd.s32 $0x0, s8;
	v44 =	vor.u32 v29, v44;
	v49 =	vor.u32 v18, v49;
	v52 =	vld.idx.msk [tilespmem:v52+s12+$0x0], $0xffff;
	s4 =	sadd.s32 $0x180, s0;
	s1 =	sadd.s32 $0x0, s1;
	v63 =	vor.u32 v31, v60  }
0x6b: {  	s15 =	simm.s32 $0x280;
	v39 =	vor.u32 v2, v39;
	v60 =	vor.u32 v29, v55;
	s7 =	sor.u32 $0x400, s4;
	s3 =	sadd.s32 $0x100, s1;
	v48 =	vor.u32 v18, v63;
	v46 =	vld.idx.msk [tilespmem:v46+s12+$0x0], $0xffff  }
0x6c: {  	s6 =	sor.u32 $0x400, s2;
	v57 =	vadd.s32 v3, v42;
	s1 =	simm.s32 $0x400;
	v51 =	vor.u32 v18, v60;
	s10 =	sor.u32 $0x400, s3;
	v47 =	vld.idx.msk [tilespmem:v62+s12+$0x0], $0xffff;
	[tilespmem:s7+$0x12100] =	vst v58  }
0x6d: {  	s5 =	sadd.s32 $0x80, s0;
	v57 =	vor.u32 v24, v57;
	v60 =	vadd.s32 v3, v26;
	s11 =	sand.u32 $0x7800, s1;
	[tilespmem:s10+$0x12100] =	vst v53;
	s10 =	simm.s32 $0x200;
	v45 =	vld.idx.msk [tilespmem:v45+s12+$0x0], $0xffff  }
0x6e: {  	s9 =	sor.u32 $0x400, s5;
	v60 =	vor.u32 v27, v60;
	s7 =	sadd.s32 $0x12100, s11;
	v62 =	vor.u32 v2, v57;
	[tilespmem:s6+$0x12100] =	vst v56;
	v50 =	vld.idx.msk [tilespmem:v50+s12+$0x0], $0xffff;
	s18 =	sand.u32 $0x200, s10  }
0x6f: {  	s0 =	simm.s32 $0x380;
	v60 =	vor.u32 v2, v60;
	v58 =	vadd.s32 v3, v43;
	[tilespmem:s9+$0x12100] =	vst v54;
	s6 =	sand.u32 $0x280, s15;
	v49 =	vld.idx.msk [tilespmem:v49+s12+$0x0], $0xffff;
	s10 =	sor.u32 s18, s7  }
0x70: {  	s16 =	simm.s32 $0x300;
	v61 =	vadd.s32 v21, v30;
	s8 =	sand.u32 $0x380, s0;
	v63 =	vor.u32 v25, v58;
	s20 =	sor.u32 s6, s7;
	v48 =	vld.idx.msk [tilespmem:v48+s12+$0x0], $0xffff;
	[tilespmem:s10+$0x0] =	vst v52  }
0x71: {  	s17 =	sand.u32 $0x300, s16;
	v61 =	vor.u32 v31, v61;
	s11 =	sadd.s32 s8, s7;
	v51 =	vld.idx.msk [tilespmem:v51+s12+$0x0], $0xffff;
	v56 =	vor.u32 v2, v63;
	[tilespmem:s20+$0x0] =	vst v46  }
0x72: {  	v34 =	vor.u32 v22, v34;
	v53 =	vor.u32 v20, v61;
	s19 =	sadd.s32 s17, s7;
	v39 =	vld.idx.msk [tilespmem:v39+s12+$0x0], $0xffff;
	[tilespmem:s11+$0x0] =	vst v47  }
0x73: {  	v44 =	vor.u32 v20, v44;
	v59 =	vadd.s32 v5, v43;
	s23 =	sor.u32 $0x410, s3;
	v62 =	vld.idx.msk [tilespmem:v62+s12+$0x0], $0xffff;
	[tilespmem:s19+$0x0] =	vst v45  }
0x74: {  	v30 =	vadd.s32 v23, v30;
	s7 =	sor.u32 $0x410, s2;
	v47 =	vld.idx.msk [tilespmem:v60+s12+$0x0], $0xffff;
	v60 =	vadd.s32 v5, v26;
	[tilespmem:s23+$0x12100] =	vst v50  }
0x75: {  	v55 =	vadd.s32 v5, v42;
	v30 =	vor.u32 v31, v30;
	s9 =	sor.u32 $0x410, s4;
	[tilespmem:s7+$0x12100] =	vst v49;
	v61 =	vor.u32 v27, v60  }
0x76: {  	s22 =	sor.u32 $0x410, s5;
	v31 =	vor.u32 v24, v55;
	[tilespmem:s9+$0x12100] =	vst v48;
	v56 =	vld.idx.msk [tilespmem:v56+s12+$0x0], $0xffff;
	v63 =	vor.u32 v4, v61  }
0x77: {  	v31 =	vor.u32 v4, v31;
	v57 =	vor.u32 v25, v59;
	[tilespmem:s22+$0x12100] =	vst v51;
	v48 =	vld.idx.msk [tilespmem:v53+s12+$0x0], $0xffff  }
0x78: {  	v29 =	vor.u32 v29, v38;
	v58 =	vor.u32 v4, v57;
	v59 =	vld.idx.msk [tilespmem:v41+s12+$0x0], $0xffff;
	[tilespmem:s10+$0x10] =	vst v39  }
0x79: {  	v30 =	vor.u32 v22, v30;
	v44 =	vld.idx.msk [tilespmem:v44+s12+$0x0], $0xffff;
	v61 =	vadd.s32 v7, v26;
	[tilespmem:s20+$0x10] =	vst v62  }
0x7a: {  	v29 =	vor.u32 v22, v29;
	v45 =	vor.u32 v27, v61;
	v36 =	vld.idx.msk [tilespmem:v36+s12+$0x0], $0xffff;
	[tilespmem:s11+$0x10] =	vst v47  }
0x7b: {  	s26 =	sor.u32 $0x420, s4;
	v62 =	vadd.s32 v7, v42;
	v45 =	vor.u32 v6, v45;
	[tilespmem:s19+$0x10] =	vst v56;
	v60 =	vld.idx.msk [tilespmem:v63+s12+$0x0], $0xffff  }
0x7c: {  	s15 =	sor.u32 $0x420, s3;
	v31 =	vld.idx.msk [tilespmem:v31+s12+$0x0], $0xffff;
	[tilespmem:s26+$0x12100] =	vst v48;
	v63 =	vor.u32 v24, v62;
	v48 =	vadd.s32 v7, v43  }
0x7d: {  	s8 =	sor.u32 $0x420, s5;
	[tilespmem:s15+$0x12100] =	vst v59;
	v46 =	vld.idx.msk [tilespmem:v58+s12+$0x0], $0xffff;
	v39 =	vor.u32 v6, v63;
	v47 =	vor.u32 v25, v48  }
0x7e: {  	v28 =	vor.u32 v28, v35;
	[tilespmem:s8+$0x12100] =	vst v44;
	v30 =	vld.idx.msk [tilespmem:v30+s12+$0x0], $0xffff;
	v47 =	vor.u32 v6, v47  }
0x7f: {  	v28 =	vor.u32 v22, v28;
	v55 =	vadd.s32 v9, v43;
	v37 =	vld.idx.msk [tilespmem:v37+s12+$0x0], $0xffff;
	[tilespmem:s10+$0x20] =	vst v36  }
0x80: {  	v50 =	vadd.s32 v9, v26;
	v51 =	vadd.s32 v9, v42;
	v29 =	vld.idx.msk [tilespmem:v29+s12+$0x0], $0xffff;
	[tilespmem:s11+$0x20] =	vst v60  }
0x81: {  	v53 =	vor.u32 v24, v51;
	[tilespmem:s20+$0x20] =	vst v31;
	v31 =	vor.u32 v27, v50;
	v35 =	vld.idx.msk [tilespmem:v45+s12+$0x0], $0xffff  }
0x82: {  	s4 =	sor.u32 $0x430, s4;
	s9 =	simm.s32 $0x8;
	v58 =	vor.u32 v25, v55;
	v31 =	vor.u32 v8, v31;
	[tilespmem:s19+$0x20] =	vst v46;
	v39 =	vld.idx.msk [tilespmem:v39+s12+$0x0], $0xffff  }
0x83: {  	s16 =	sor.u32 $0x420, s2;
	v52 =	vmov s9;
	v36 =	vor.u32 v8, v53;
	[tilespmem:s4+$0x12100] =	vst v30;
	v30 =	vadd.s32 v9, v33;
	v54 =	vld.idx.msk [tilespmem:v47+s12+$0x0], $0xffff  }
0x84: {  	s22 =	sor.u32 $0x430, s5;
	v56 =	vshll.u32 v52, $0x7;
	[tilespmem:s16+$0x12100] =	vst v37;
	v57 =	vld.idx.msk [tilespmem:v32+s12+$0x0], $0xffff;
	v60 =	vor.u32 v8, v58;
	v30 =	vor.u32 v40, v30  }
0x85: {  	s17 =	simm.s32 $0x9;
	v59 =	vshrl.u32 v52, $0x3;
	v37 =	vadd.s32 v21, v33;
	v61 =	vld.idx.msk [tilespmem:v28+s12+$0x0], $0xffff;
	[tilespmem:s22+$0x12100] =	vst v29;
	v30 =	vor.u32 v8, v30  }
0x86: {  	s18 =	simm.s32 $0xA;
	v52 =	vadd.s32 v15, v33;
	v62 =	vmov s17;
	v34 =	vld.idx.msk [tilespmem:v34+s12+$0x0], $0xffff;
	v28 =	vadd.s32 v11, v26;
	[tilespmem:s11+$0x30] =	vst v35  }
0x87: {  	v55 =	vadd.s32 v11, v42;
	v63 =	vmov s18;
	v28 =	vor.u32 v27, v28;
	[tilespmem:s20+$0x30] =	vst v39;
	v31 =	vld.idx.msk [tilespmem:v31+s12+$0x0], $0xffff  }
0x88: {  	v48 =	vadd.s32 v19, v33;
	v32 =	vand.u32 $0x200, v56;
	v56 =	vor.u32 v10, v28;
	v36 =	vld.idx.msk [tilespmem:v36+s12+$0x0], $0xffff;
	[tilespmem:s19+$0x30] =	vst v54  }
0x89: {  	v28 =	vmul.u32 $0xC00, v59;
	v58 =	vadd.s32 v11, v43;
	[tilespmem:s10+$0x30] =	vst v57;
	v35 =	vor.u32 v24, v55;
	v57 =	vld.idx.msk [tilespmem:v60+s12+$0x0], $0xffff  }
0x8a: {  	s3 =	sor.u32 $0x430, s3;
	v29 =	vadd.s32 v11, v33;
	v59 =	vld.idx.msk [tilespmem:v30+s12+$0x0], $0xffff;
	v30 =	vor.u32 v10, v35;
	v60 =	vor.u32 v25, v58  }
0x8b: {  	s2 =	sor.u32 $0x430, s2;
	v53 =	vadd.s32 v17, v33;
	[tilespmem:s3+$0x12100] =	vst v61;
	v29 =	vor.u32 v40, v29;
	v41 =	vor.u32 v10, v60  }
0x8c: {  	v49 =	vshrl.u32 v63, $0x3;
	v50 =	vadd.s32 v23, v33;
	[tilespmem:s2+$0x12100] =	vst v34;
	v29 =	vor.u32 v10, v29  }
0x8d: {  	v38 =	vmul.u32 $0xC00, v49;
	v49 =	vor.u32 v40, v53;
	v61 =	vadd.s32 v13, v26;
	[tilespmem:s11+$0x40] =	vst v31  }
0x8e: {  	v46 =	vshll.u32 v62, $0x7;
	v44 =	vadd.s32 v3, v28;
	v31 =	vadd.s32 v13, v33;
	[tilespmem:s20+$0x40] =	vst v36;
	v33 =	vld.idx.msk [tilespmem:v56+s12+$0x0], $0xffff  }
0x8f: {  	v34 =	vor.u32 v27, v61;
	v47 =	vshrl.u32 v62, $0x3;
	v62 =	vadd.s32 v13, v42;
	[tilespmem:s19+$0x40] =	vst v57;
	v51 =	vld.idx.msk [tilespmem:v30+s12+$0x0], $0xffff  }
0x90: {  	v45 =	vshll.u32 v63, $0x7;
	v63 =	vor.u32 v12, v34;
	v34 =	vadd.s32 v23, v42;
	[tilespmem:s10+$0x40] =	vst v59;
	v61 =	vld.idx.msk [tilespmem:v41+s12+$0x0], $0xffff  }
0x91: {  	v39 =	vadd.s32 v5, v28;
	v60 =	vadd.s32 v13, v43;
	v59 =	vor.u32 v24, v62;
	v55 =	vld.idx.msk [tilespmem:v29+s12+$0x0], $0xffff  }
0x92: {  	v35 =	vadd.s32 v7, v28;
	v62 =	vor.u32 v25, v60;
	v54 =	vor.u32 v12, v59  }
0x93: {  	v36 =	vadd.s32 v21, v43;
	v30 =	vand.u32 $0x280, v46;
	v57 =	vor.u32 v12, v62;
	[tilespmem:s11+$0x50] =	vst v33  }
0x94: {  	v56 =	vadd.s32 v1, v28;
	v46 =	vor.u32 v40, v48;
	v29 =	vor.u32 v40, v31;
	[tilespmem:s20+$0x50] =	vst v51  }
0x95: {  	v48 =	vadd.s32 v19, v42;
	v58 =	vor.u32 v12, v29;
	v29 =	vor.u32 v40, v50;
	[tilespmem:s19+$0x50] =	vst v61  }
0x96: {  	p1 =	por !p1, !p1;
	s23 =	sand.u32 $0x3, s24;
	v33 =	vor.u32 v40, v37;
	v59 =	vld.idx.msk [tilespmem:v63+s12+$0x0], $0xffff;
	v63 =	vadd.s32 v15, v26;
	[tilespmem:s10+$0x50] =	vst v55  }
0x97: {  	s2 =	simm.s32 $0x1;
	s3 =	sshll.u32 s23, $0x8;
	v37 =	vmul.u32 $0xC00, v47;
	v51 =	vadd.s32 v15, v42;
	v61 =	vld.idx.msk [tilespmem:v54+s12+$0x0], $0xffff;
	v50 =	vor.u32 v27, v63;
	s4 =	rddreg [dreg:$0x4]  }
0x98: {  	s2 =	simm.s32 @!p1 $0x0;
	v47 =	vor.u32 v24, v51;
	v63 =	vadd.s32 v15, v43;
	v60 =	vor.u32 v14, v50;
	v50 =	vld.idx.msk [tilespmem:v57+s12+$0x0], $0xffff;
	[dreg:$0xb] =	wrdreg s14;
	s4 =	sadd.s32 s4, s14  }
0x99: {  	s3 =	sadd.s32 $0x400, s3;
	s2 =	sshll.u32 s2, $0x9;
	v31 =	vadd.s32 v23, v43;
	v55 =	vor.u32 v14, v47;
	v57 =	vor.u32 v25, v63;
	[dreg:$0xc] =	wrdreg s4  }
0x9a: {  	s18 =	simm.s32 $0xC;
	s26 =	sadd.s32 $0x100, s3;
	s2 =	sadd.s32 $0x400, s2;
	v41 =	vadd.s32 v21, v42;
	v62 =	vor.u32 v40, v52;
	v54 =	vor.u32 v14, v57;
	v51 =	vld.idx.msk [tilespmem:v58+s12+$0x0], $0xffff  }
0x9b: {  	s15 =	sor.u32 $0x400, s26;
	s7 =	sor.u32 $0x410, s26;
	s31 =	sor.u32 $0x420, s26;
	v56 =	vor.u32 v32, v56;
	v52 =	vor.u32 v14, v62;
	v42 =	vadd.s32 v17, v42  }
0x9c: {  	s29 =	sor.u32 $0x430, s26;
	s9 =	sor.u32 $0x400, s2;
	s3 =	sor.u32 $0x410, s2;
	v47 =	vadd.s32 v19, v43;
	v43 =	vadd.s32 v17, v43;
	v63 =	vadd.s32 v17, v26;
	[tilespmem:s11+$0x60] =	vst v59  }
0x9d: {  	s30 =	sor.u32 $0x420, s2;
	s28 =	sor.u32 $0x430, s2;
	s2 =	simm.s32 $0xB;
	v57 =	vadd.s32 v1, v37;
	v58 =	vor.u32 v27, v63;
	[tilespmem:s20+$0x60] =	vst v61;
	v53 =	vld.idx.msk [tilespmem:v60+s12+$0x0], $0xffff  }
.LBB2_3:
0x9e: {  	p2 =	slt.u32 s18, $0x5C;
	v59 =	vadd.s32 v1, v38;
	v60 =	vmov s2;
	v55 =	vld.idx.msk [tilespmem:v55+s12+$0x0], $0xffff;
	[tilespmem:s19+$0x60] =	vst v50;
	v50 =	vor.u32 v16, v58;
	v40 =	vmovc v32  }
0x9f: {  	v32 =	vor.u32 v0, v56;
	v58 =	vor.u32 v24, v42;
	v56 =	vshrl.u32 v60, $0x3;
	[tilespmem:s10+$0x60] =	vst v51;
	v51 =	vld.idx.msk [tilespmem:v54+s12+$0x0], $0xffff  }
0xa0: {  	v61 =	vor.u32 v25, v43;
	v42 =	vmovc v37;
	v54 =	vmul.u32 $0xC00, v56;
	v52 =	vld.idx.msk [tilespmem:v52+s12+$0x0], $0xffff;
	v56 =	vor.u32 v16, v58  }
0xa1: {  	v49 =	vor.u32 v16, v49;
	v43 =	vmovc v38;
	v37 =	vshll.u32 v60, $0x7;
	v58 =	vor.u32 v16, v61  }
0xa2: {  	v38 =	vor.u32 v30, v57;
	v37 =	vand.u32 $0x380, v37;
	v57 =	vadd.s32 v1, v54;
	[tilespmem:s11+$0x70] =	vst v53  }
0xa3: {  	s25 =	sadd.s32 $0x4, s25;
	v38 =	vor.u32 v0, v38;
	v53 =	vor.u32 v37, v57;
	v50 =	vld.idx.msk [tilespmem:v50+s12+$0x0], $0xffff;
	v57 =	vadd.s32 v19, v26  }
0xa4: {  	s2 =	sand.u32 $0x7, s25;
	v60 =	vld.idx.msk [tilespmem:v32+s12+$0x0], $0xffff;
	v32 =	vand.u32 $0x300, v45;
	v45 =	vor.u32 v0, v53;
	[tilespmem:s20+$0x70] =	vst v55;
	v53 =	vor.u32 v27, v57  }
0xa5: {  	s2 =	sshll.u32 s2, $0x7;
	v55 =	vor.u32 v32, v59;
	v56 =	vld.idx.msk [tilespmem:v56+s12+$0x0], $0xffff;
	[tilespmem:s19+$0x70] =	vst v51;
	v51 =	vor.u32 v18, v53  }
0xa6: {  	v48 =	vor.u32 v24, v48;
	s24 =	sadd.s32 $0x2, s24;
	s2 =	sadd.s32 s1, s2;
	v53 =	vor.u32 v0, v55;
	[tilespmem:s10+$0x70] =	vst v52;
	v52 =	vld.idx.msk [tilespmem:v58+s12+$0x0], $0xffff  }
0xa7: {  	v47 =	vor.u32 v25, v47;
	p1 =	por !p1, !p1;
	v48 =	vor.u32 v18, v48;
	s6 =	sadd.s32 $0x80, s2;
	s5 =	sadd.s32 $0x180, s2;
	v55 =	vadd.s32 v5, v42;
	v49 =	vld.idx.msk [tilespmem:v49+s12+$0x0], $0xffff  }
0xa8: {  	v47 =	vor.u32 v18, v47;
	s8 =	sor.u32 $0x400, s6;
	s16 =	sor.u32 $0x410, s6;
	v57 =	vadd.s32 v3, v42;
	v58 =	vadd.s32 v5, v43;
	s10 =	sor.u32 $0x400, s5;
	v38 =	vld.idx.msk [tilespmem:v38+s12+$0x0], $0xffff  }
0xa9: {  	v46 =	vor.u32 v18, v46;
	s4 =	sor.u32 $0x420, s6;
	s2 =	sor.u32 $0x430, s6;
	v59 =	vadd.s32 v3, v54;
	v45 =	vld.idx.msk [tilespmem:v45+s12+$0x0], $0xffff;
	[tilespmem:s10+$0x12100] =	vst v50;
	s10 =	simm.s32 $0x1  }
0xaa: {  	v61 =	vadd.s32 v21, v26;
	s6 =	sand.u32 $0x3, s24;
	v59 =	vor.u32 v37, v59;
	v50 =	vadd.s32 v3, v43;
	s10 =	simm.s32 @!p1 $0x0;
	v51 =	vld.idx.msk [tilespmem:v51+s12+$0x0], $0xffff  }
0xab: {  	s1 =	sadd.s32 $0x400, s1;
	s6 =	sshll.u32 s6, $0x8;
	v59 =	vor.u32 v2, v59;
	s14 =	sshll.u32 s10, $0x9;
	v53 =	vld.idx.msk [tilespmem:v53+s12+$0x0], $0xffff;
	[tilespmem:s8+$0x12100] =	vst v56;
	v56 =	vor.u32 v27, v61  }
0xac: {  	s0 =	sadd.s32 $0x200, s0;
	s6 =	sadd.s32 s1, s6;
	v57 =	vor.u32 v30, v57;
	s8 =	sand.u32 $0x7800, s1;
	v48 =	vld.idx.msk [tilespmem:v48+s12+$0x0], $0xffff;
	[tilespmem:s15+$0x12100] =	vst v52;
	v52 =	vor.u32 v20, v56  }
0xad: {  	s11 =	sand.u32 $0x380, s0;
	v50 =	vor.u32 v32, v50;
	s10 =	sadd.s32 $0xFFFFFE80, s0;
	s8 =	sadd.s32 $0x12100, s8;
	v56 =	vor.u32 v2, v57;
	[tilespmem:s9+$0x12100] =	vst v49;
	v47 =	vld.idx.msk [tilespmem:v47+s12+$0x0], $0xffff  }
0xae: {  	v41 =	vor.u32 v24, v41;
	v44 =	vor.u32 v40, v44;
	s15 =	sadd.s32 $0xFFFFFF80, s0;
	s9 =	sadd.s32 $0xFFFFFF00, s0;
	v49 =	vor.u32 v2, v50;
	s11 =	sadd.s32 s11, s8;
	v46 =	vld.idx.msk [tilespmem:v46+s12+$0x0], $0xffff  }
0xaf: {  	v36 =	vor.u32 v25, v36;
	v41 =	vor.u32 v20, v41;
	v44 =	vor.u32 v2, v44;
	s17 =	sor.u32 $0x410, s5;
	s10 =	sand.u32 $0x200, s10;
	s9 =	sand.u32 $0x280, s9;
	[tilespmem:s11+$0x0] =	vst v45  }
0xb0: {  	v36 =	vor.u32 v20, v36;
	s10 =	sor.u32 s10, s8;
	v50 =	vadd.s32 v5, v54;
	s20 =	sor.u32 s9, s8;
	s9 =	sand.u32 $0x300, s15;
	v45 =	vld.idx.msk [tilespmem:v59+s12+$0x0], $0xffff;
	[tilespmem:s17+$0x12100] =	vst v51  }
0xb1: {  	s22 =	sadd.s32 $0x100, s6;
	s17 =	sadd.s32 s14, s1;
	s19 =	sadd.s32 s9, s8;
	v51 =	vadd.s32 v23, v26;
	v26 =	vmov v54;
	[tilespmem:s20+$0x0] =	vst v38;
	v38 =	vor.u32 v37, v50;
	v50 =	vld.idx.msk [tilespmem:v52+s12+$0x0], $0xffff  }
0xb2: {  	s26 =	sor.u32 $0x410, s22;
	s15 =	sor.u32 $0x400, s22;
	s9 =	sor.u32 $0x400, s17;
	v51 =	vor.u32 v27, v51;
	v27 =	vmov v37;
	v52 =	vld.idx.msk [tilespmem:v56+s12+$0x0], $0xffff;
	[tilespmem:s19+$0x0] =	vst v53;
	v38 =	vor.u32 v4, v38  }
0xb3: {  	s6 =	sor.u32 $0x420, s22;
	s23 =	sor.u32 $0x410, s17;
	s14 =	sor.u32 $0x420, s17;
	v37 =	vor.u32 v30, v55;
	v51 =	vor.u32 v22, v51;
	[tilespmem:s10+$0x0] =	vst v60;
	v49 =	vld.idx.msk [tilespmem:v49+s12+$0x0], $0xffff  }
0xb4: {  	s8 =	sor.u32 $0x430, s17;
	s17 =	sor.u32 $0x430, s22;
	v37 =	vor.u32 v4, v37;
	v53 =	vor.u32 v32, v58;
	v44 =	vld.idx.msk [tilespmem:v44+s12+$0x0], $0xffff;
	[tilespmem:s16+$0x12100] =	vst v48  }
0xb5: {  	v39 =	vor.u32 v40, v39;
	v48 =	vor.u32 v4, v53;
	v41 =	vld.idx.msk [tilespmem:v41+s12+$0x0], $0xffff;
	[tilespmem:s7+$0x12100] =	vst v47;
	s7 =	smov.u32 s26  }
0xb6: {  	v34 =	vor.u32 v24, v34;
	v24 =	vmov v30;
	v39 =	vor.u32 v4, v39;
	s16 =	sor.u32 $0x420, s5;
	[tilespmem:s11+$0x10] =	vst v45;
	v36 =	vld.idx.msk [tilespmem:v36+s12+$0x0], $0xffff  }
0xb7: {  	v33 =	vor.u32 v20, v33;
	v30 =	vld.idx.msk [tilespmem:v38+s12+$0x0], $0xffff;
	v38 =	vadd.s32 v7, v26;
	[tilespmem:s16+$0x12100] =	vst v50  }
0xb8: {  	v34 =	vor.u32 v22, v34;
	[tilespmem:s20+$0x10] =	vst v52;
	v38 =	vor.u32 v27, v38;
	v45 =	vld.idx.msk [tilespmem:v51+s12+$0x0], $0xffff  }
0xb9: {  	v47 =	vadd.s32 v7, v42;
	v37 =	vld.idx.msk [tilespmem:v37+s12+$0x0], $0xffff;
	[tilespmem:s19+$0x10] =	vst v49;
	v38 =	vor.u32 v6, v38  }
0xba: {  	[tilespmem:s10+$0x10] =	vst v44;
	v44 =	vor.u32 v24, v47;
	v47 =	vld.idx.msk [tilespmem:v48+s12+$0x0], $0xffff;
	v48 =	vadd.s32 v7, v43  }
0xbb: {  	v39 =	vld.idx.msk [tilespmem:v39+s12+$0x0], $0xffff;
	v44 =	vor.u32 v6, v44;
	v48 =	vor.u32 v32, v48;
	[tilespmem:s3+$0x12100] =	vst v46;
	s3 =	smov.u32 s23  }
0xbc: {  	v35 =	vor.u32 v40, v35;
	v46 =	vor.u32 v6, v48;
	v33 =	vld.idx.msk [tilespmem:v33+s12+$0x0], $0xffff;
	[tilespmem:s4+$0x12100] =	vst v41  }
0xbd: {  	v31 =	vor.u32 v25, v31;
	v35 =	vor.u32 v6, v35;
	v25 =	vmov v32;
	s4 =	sor.u32 $0x430, s5;
	[tilespmem:s11+$0x20] =	vst v30;
	v30 =	vld.idx.msk [tilespmem:v34+s12+$0x0], $0xffff  }
0xbe: {  	v31 =	vor.u32 v22, v31;
	v34 =	vadd.s32 v9, v26;
	v32 =	vld.idx.msk [tilespmem:v38+s12+$0x0], $0xffff;
	[tilespmem:s4+$0x12100] =	vst v45  }
0xbf: {  	v29 =	vor.u32 v22, v29;
	v38 =	vadd.s32 v9, v28;
	v34 =	vor.u32 v27, v34;
	[tilespmem:s20+$0x20] =	vst v37  }
0xc0: {  	v41 =	vadd.s32 v9, v42;
	v34 =	vor.u32 v8, v34;
	v37 =	vld.idx.msk [tilespmem:v44+s12+$0x0], $0xffff;
	[tilespmem:s19+$0x20] =	vst v47  }
0xc1: {  	v45 =	vadd.s32 v9, v43;
	v44 =	vmov s18;
	[tilespmem:s10+$0x20] =	vst v39;
	v39 =	vor.u32 v24, v41;
	v41 =	vld.idx.msk [tilespmem:v46+s12+$0x0], $0xffff  }
0xc2: {  	v45 =	vor.u32 v25, v45;
	v46 =	vshll.u32 v44, $0x7;
	v35 =	vld.idx.msk [tilespmem:v35+s12+$0x0], $0xffff;
	v39 =	vor.u32 v8, v39;
	[tilespmem:s31+$0x12100] =	vst v36;
	s31 =	smov.u32 s6  }
0xc3: {  	s5 =	sadd.s32 $0x2, s18;
	s4 =	sadd.s32 $0x1, s18;
	v38 =	vor.u32 v40, v38;
	v36 =	vshrl.u32 v44, $0x3;
	v44 =	vor.u32 v8, v45;
	[tilespmem:s30+$0x12100] =	vst v33;
	v31 =	vld.idx.msk [tilespmem:v31+s12+$0x0], $0xffff;
	s30 =	smov.u32 s14  }
0xc4: {  	v47 =	vmov s5;
	v38 =	vor.u32 v8, v38;
	v33 =	vmov s4;
	[tilespmem:s11+$0x30] =	vst v32;
	v29 =	vld.idx.msk [tilespmem:v29+s12+$0x0], $0xffff  }
0xc5: {  	v45 =	vadd.s32 v11, v26;
	v32 =	vand.u32 $0x200, v46;
	v46 =	vshll.u32 v33, $0x7;
	v34 =	vld.idx.msk [tilespmem:v34+s12+$0x0], $0xffff;
	[tilespmem:s2+$0x12100] =	vst v30  }
0xc6: {  	v48 =	vadd.s32 v23, v28;
	v30 =	vadd.s32 v11, v28;
	[tilespmem:s20+$0x30] =	vst v37;
	v37 =	vor.u32 v27, v45  }
0xc7: {  	v45 =	vshll.u32 v47, $0x7;
	v49 =	vld.idx.msk [tilespmem:v39+s12+$0x0], $0xffff;
	v39 =	vadd.s32 v11, v42;
	[tilespmem:s19+$0x30] =	vst v41;
	v37 =	vor.u32 v10, v37  }
0xc8: {  	v36 =	vmul.u32 $0xC00, v36;
	[tilespmem:s10+$0x30] =	vst v35;
	v35 =	vor.u32 v24, v39;
	v41 =	vld.idx.msk [tilespmem:v44+s12+$0x0], $0xffff;
	v39 =	vadd.s32 v11, v43  }
0xc9: {  	v50 =	vshrl.u32 v33, $0x3;
	v33 =	vld.idx.msk [tilespmem:v38+s12+$0x0], $0xffff;
	v38 =	vor.u32 v10, v35;
	v35 =	vor.u32 v25, v39;
	[tilespmem:s29+$0x12100] =	vst v31;
	s29 =	smov.u32 s17  }
0xca: {  	v30 =	vor.u32 v40, v30;
	v31 =	vadd.s32 v21, v28;
	v44 =	vor.u32 v10, v35;
	[tilespmem:s28+$0x12100] =	vst v29;
	s28 =	smov.u32 s8  }
0xcb: {  	v53 =	vadd.s32 v17, v28;
	v52 =	vadd.s32 v19, v28;
	v29 =	vor.u32 v10, v30;
	[tilespmem:s11+$0x40] =	vst v34  }
0xcc: {  	v54 =	vadd.s32 v15, v28;
	v34 =	vadd.s32 v13, v28;
	v28 =	vadd.s32 v13, v26;
	v37 =	vld.idx.msk [tilespmem:v37+s12+$0x0], $0xffff  }
0xcd: {  	v39 =	vadd.s32 v5, v36;
	v35 =	vadd.s32 v7, v36;
	v28 =	vor.u32 v27, v28;
	[tilespmem:s20+$0x40] =	vst v49  }
0xce: {  	v47 =	vshrl.u32 v47, $0x3;
	v49 =	vadd.s32 v13, v42;
	v38 =	vld.idx.msk [tilespmem:v38+s12+$0x0], $0xffff;
	[tilespmem:s19+$0x40] =	vst v41;
	v41 =	vor.u32 v12, v28  }
0xcf: {  	v30 =	vand.u32 $0x280, v46;
	v57 =	vor.u32 v24, v49;
	[tilespmem:s10+$0x40] =	vst v33;
	v46 =	vld.idx.msk [tilespmem:v44+s12+$0x0], $0xffff;
	v33 =	vadd.s32 v13, v43  }
0xd0: {  	v44 =	vadd.s32 v3, v36;
	v51 =	vor.u32 v12, v57;
	v49 =	vld.idx.msk [tilespmem:v29+s12+$0x0], $0xffff;
	v33 =	vor.u32 v25, v33  }
0xd1: {  	v56 =	vadd.s32 v1, v36;
	v28 =	vmovc v36;
	v29 =	vor.u32 v40, v34;
	v55 =	vor.u32 v12, v33  }
0xd2: {  	v34 =	vadd.s32 v23, v42;
	v57 =	vor.u32 v12, v29;
	v29 =	vor.u32 v40, v48;
	[tilespmem:s11+$0x50] =	vst v37  }
0xd3: {  	v33 =	vor.u32 v40, v31;
	v31 =	vadd.s32 v23, v43;
	v37 =	vadd.s32 v15, v26;
	v58 =	vld.idx.msk [tilespmem:v41+s12+$0x0], $0xffff  }
0xd4: {  	v36 =	vadd.s32 v21, v43;
	v41 =	vadd.s32 v21, v42;
	[tilespmem:s20+$0x50] =	vst v38;
	v38 =	vor.u32 v27, v37  }
0xd5: {  	v48 =	vadd.s32 v15, v42;
	v37 =	vmul.u32 $0xC00, v50;
	v59 =	vld.idx.msk [tilespmem:v51+s12+$0x0], $0xffff;
	[tilespmem:s19+$0x50] =	vst v46;
	v60 =	vor.u32 v14, v38  }
0xd6: {  	v38 =	vmul.u32 $0xC00, v47;
	v47 =	vor.u32 v24, v48;
	v48 =	vadd.s32 v15, v43;
	[tilespmem:s10+$0x50] =	vst v49;
	v50 =	vld.idx.msk [tilespmem:v55+s12+$0x0], $0xffff  }
.Ltmp0:
0xd7: {  	v46 =	vor.u32 v40, v52;
	v55 =	vor.u32 v14, v47;
	v47 =	vor.u32 v25, v48;
	v51 =	vld.idx.msk [tilespmem:v57+s12+$0x0], $0xffff;
	(pc) =	sbr.rel @p2 .LBB2_3-.Ltmp0, $4  }
0xd8: {  	v49 =	vor.u32 v40, v54;
	v48 =	vadd.s32 v19, v42;
	v54 =	vor.u32 v14, v47  }
0xd9: {  	v52 =	vor.u32 v14, v49;
	v49 =	vor.u32 v40, v53;
	v47 =	vadd.s32 v19, v43;
	[tilespmem:s11+$0x60] =	vst v58  }
0xda: {  	v42 =	vadd.s32 v17, v42;
	v43 =	vadd.s32 v17, v43;
	v40 =	vadd.s32 v17, v26;
	v53 =	vld.idx.msk [tilespmem:v60+s12+$0x0], $0xffff  }
0xdb: {  	s2 =	sadd.s32 $0x3, s18;
	s18 =	sadd.s32 $0x4, s18;
	v56 =	vor.u32 v32, v56;
	v57 =	vadd.s32 v1, v37;
	v58 =	vor.u32 v27, v40;
	[tilespmem:s20+$0x60] =	vst v59  }
0xdc: {  	_ =	sdelay $0x2  }
0xdd: {  	v59 =	vmov s2  }
0xde: {  	v58 =	vor.u32 v16, v58;
	v55 =	vld.idx.msk [tilespmem:v55+s12+$0x0], $0xffff;
	v40 =	vshrl.u32 v59, $0x3  }
0xdf: {  	v40 =	vmul.u32 $0xC00, v40  }
0xe0: {  	v60 =	vor.u32 v24, v42;
	[tilespmem:s19+$0x60] =	vst v50;
	v59 =	vshll.u32 v59, $0x7  }
0xe1: {  	v63 =	vor.u32 v30, v57;
	[tilespmem:s10+$0x60] =	vst v51;
	v51 =	vld.idx.msk [tilespmem:v54+s12+$0x0], $0xffff;
	v42 =	vand.u32 $0x380, v59;
	v61 =	vadd.s32 v1, v40  }
0xe2: {  	s25 =	sadd.s32 $0x4, s25;
	v50 =	vor.u32 v0, v63;
	v59 =	vor.u32 v16, v60;
	[tilespmem:s11+$0x70] =	vst v53;
	v60 =	vor.u32 v42, v61  }
0xe3: {  	s16 =	sand.u32 $0x7, s25;
	v61 =	vadd.s32 v1, v38;
	v54 =	vld.idx.msk [tilespmem:v58+s12+$0x0], $0xffff;
	[tilespmem:s20+$0x70] =	vst v55;
	v55 =	vor.u32 v0, v56  }
0xe4: {  	s2 =	sshll.u32 s16, $0x7;
	v57 =	vor.u32 v0, v60;
	v60 =	vor.u32 v25, v43;
	v43 =	vand.u32 $0x300, v45  }
0xe5: {  	s2 =	sadd.s32 s1, s2;
	v45 =	vld.idx.msk [tilespmem:v52+s12+$0x0], $0xffff;
	v52 =	vor.u32 v16, v60;
	v62 =	vor.u32 v43, v61  }
0xe6: {  	s18 =	sadd.s32 $0x180, s2;
	v53 =	vor.u32 v0, v62  }
0xe7: {  	s6 =	sadd.s32 $0x200, s0;
	v44 =	vor.u32 v32, v44;
	v63 =	vadd.s32 v3, v40;
	s4 =	sor.u32 $0x400, s18;
	v50 =	vld.idx.msk [tilespmem:v50+s12+$0x0], $0xffff  }
0xe8: {  	s0 =	sand.u32 $0x380, s6;
	v44 =	vor.u32 v2, v44;
	s1 =	sadd.s32 $0x400, s1;
	v58 =	vor.u32 v42, v63;
	[tilespmem:s4+$0x12100] =	vst v54;
	v54 =	vld.idx.msk [tilespmem:v55+s12+$0x0], $0xffff  }
0xe9: {  	s23 =	sadd.s32 $0xFFFFFF80, s6;
	s5 =	sand.u32 $0x7800, s1;
	s20 =	sadd.s32 $0xFFFFFF00, s6;
	[tilespmem:s19+$0x70] =	vst v51;
	v51 =	vor.u32 v2, v58;
	v60 =	vadd.s32 v3, v37;
	v57 =	vld.idx.msk [tilespmem:v57+s12+$0x0], $0xffff  }
0xea: {  	s6 =	sadd.s32 $0xFFFFFE80, s6;
	s19 =	sadd.s32 $0x12100, s5;
	s22 =	sand.u32 $0x280, s20;
	v61 =	vor.u32 v30, v60;
	v62 =	vadd.s32 v3, v38;
	[tilespmem:s10+$0x70] =	vst v45;
	v45 =	vld.idx.msk [tilespmem:v52+s12+$0x0], $0xffff  }
0xeb: {  	s14 =	sand.u32 $0x200, s6;
	s26 =	sor.u32 s22, s19;
	v58 =	vor.u32 v2, v61;
	v52 =	vor.u32 v43, v62;
	v53 =	vld.idx.msk [tilespmem:v53+s12+$0x0], $0xffff  }
0xec: {  	v49 =	vor.u32 v16, v49;
	v39 =	vor.u32 v32, v39;
	s11 =	sadd.s32 $0x80, s2;
	s2 =	sor.u32 s14, s19;
	[tilespmem:s26+$0x0] =	vst v50;
	v52 =	vor.u32 v2, v52  }
0xed: {  	v39 =	vor.u32 v4, v39;
	v56 =	vld.idx.msk [tilespmem:v59+s12+$0x0], $0xffff;
	s0 =	sadd.s32 s0, s19;
	v60 =	vadd.s32 v5, v40;
	[tilespmem:s2+$0x0] =	vst v54  }
0xee: {  	v63 =	vadd.s32 v5, v37;
	s5 =	sand.u32 $0x300, s23;
	v61 =	vor.u32 v42, v60;
	[tilespmem:s0+$0x0] =	vst v57;
	v44 =	vld.idx.msk [tilespmem:v44+s12+$0x0], $0xffff  }
0xef: {  	s8 =	sadd.s32 s5, s19;
	v55 =	vor.u32 v30, v63;
	v63 =	vadd.s32 v5, v38;
	v51 =	vld.idx.msk [tilespmem:v51+s12+$0x0], $0xffff;
	[tilespmem:s15+$0x12100] =	vst v45  }
0xf0: {  	v50 =	vor.u32 v4, v61;
	v62 =	vadd.s32 v19, v26;
	v45 =	vld.idx.msk [tilespmem:v58+s12+$0x0], $0xffff;
	[tilespmem:s8+$0x0] =	vst v53  }
0xf1: {  	s17 =	sor.u32 $0x400, s11;
	v60 =	vor.u32 v4, v55;
	v61 =	vor.u32 v27, v62;
	v62 =	vor.u32 v43, v63;
	v52 =	vld.idx.msk [tilespmem:v52+s12+$0x0], $0xffff  }
0xf2: {  	v48 =	vor.u32 v24, v48;
	v35 =	vor.u32 v32, v35;
	[tilespmem:s17+$0x12100] =	vst v56;
	v63 =	vor.u32 v4, v62  }
0xf3: {  	v47 =	vor.u32 v25, v47;
	v46 =	vor.u32 v18, v46;
	v35 =	vor.u32 v6, v35;
	[tilespmem:s2+$0x10] =	vst v44  }
0xf4: {  	v59 =	vadd.s32 v7, v38;
	v56 =	vadd.s32 v7, v40;
	[tilespmem:s0+$0x10] =	vst v51;
	v39 =	vld.idx.msk [tilespmem:v39+s12+$0x0], $0xffff  }
0xf5: {  	v57 =	vor.u32 v42, v56;
	v58 =	vadd.s32 v7, v37;
	[tilespmem:s26+$0x10] =	vst v45;
	v50 =	vld.idx.msk [tilespmem:v50+s12+$0x0], $0xffff  }
0xf6: {  	v45 =	vor.u32 v6, v57;
	v51 =	vor.u32 v30, v58;
	v53 =	vld.idx.msk [tilespmem:v60+s12+$0x0], $0xffff;
	[tilespmem:s8+$0x10] =	vst v52  }
0xf7: {  	v48 =	vor.u32 v18, v48;
	v51 =	vor.u32 v6, v51;
	v52 =	vor.u32 v43, v59;
	v54 =	vld.idx.msk [tilespmem:v63+s12+$0x0], $0xffff  }
0xf8: {  	v47 =	vor.u32 v18, v47;
	v49 =	vld.idx.msk [tilespmem:v49+s12+$0x0], $0xffff;
	v55 =	vor.u32 v18, v61;
	v44 =	vor.u32 v6, v52  }
0xf9: {  	v61 =	vadd.s32 v9, v37;
	v60 =	vadd.s32 v9, v40;
	v63 =	vadd.s32 v9, v28;
	[tilespmem:s2+$0x20] =	vst v39  }
0xfa: {  	[tilespmem:s0+$0x20] =	vst v50;
	v50 =	vor.u32 v42, v60;
	v60 =	vor.u32 v32, v63;
	v35 =	vld.idx.msk [tilespmem:v35+s12+$0x0], $0xffff  }
0xfb: {  	v62 =	vadd.s32 v9, v38;
	[tilespmem:s26+$0x20] =	vst v53;
	v45 =	vld.idx.msk [tilespmem:v45+s12+$0x0], $0xffff;
	v39 =	vor.u32 v8, v60  }
0xfc: {  	v52 =	vor.u32 v30, v61;
	v51 =	vld.idx.msk [tilespmem:v51+s12+$0x0], $0xffff;
	v50 =	vor.u32 v8, v50;
	[tilespmem:s8+$0x20] =	vst v54  }
0xfd: {  	v41 =	vor.u32 v24, v41;
	v52 =	vor.u32 v8, v52;
	v54 =	vor.u32 v43, v62;
	v44 =	vld.idx.msk [tilespmem:v44+s12+$0x0], $0xffff  }
0xfe: {  	v41 =	vor.u32 v20, v41;
	v48 =	vld.idx.msk [tilespmem:v48+s12+$0x0], $0xffff;
	v57 =	vadd.s32 v11, v28;
	v54 =	vor.u32 v8, v54  }
0xff: {  	v47 =	vld.idx.msk [tilespmem:v47+s12+$0x0], $0xffff;
	v58 =	vor.u32 v32, v57;
	v61 =	vadd.s32 v11, v40;
	[tilespmem:s2+$0x30] =	vst v35  }
0x100: {  	v63 =	vadd.s32 v11, v38;
	v62 =	vadd.s32 v11, v37;
	[tilespmem:s0+$0x30] =	vst v45;
	v39 =	vld.idx.msk [tilespmem:v39+s12+$0x0], $0xffff  }
0x101: {  	v35 =	vor.u32 v10, v58;
	[tilespmem:s26+$0x30] =	vst v51;
	v45 =	vor.u32 v42, v61;
	v50 =	vld.idx.msk [tilespmem:v50+s12+$0x0], $0xffff  }
0x102: {  	v51 =	vor.u32 v30, v62;
	v52 =	vld.idx.msk [tilespmem:v52+s12+$0x0], $0xffff;
	v45 =	vor.u32 v10, v45;
	[tilespmem:s8+$0x30] =	vst v44  }
0x103: {  	s17 =	sor.u32 $0x410, s11;
	[tilespmem:s9+$0x12100] =	vst v49;
	v51 =	vor.u32 v10, v51;
	v44 =	vor.u32 v43, v63;
	v54 =	vld.idx.msk [tilespmem:v54+s12+$0x0], $0xffff  }
0x104: {  	v46 =	vld.idx.msk [tilespmem:v46+s12+$0x0], $0xffff;
	[tilespmem:s17+$0x12100] =	vst v48;
	v59 =	vadd.s32 v13, v40;
	v44 =	vor.u32 v10, v44  }
0x105: {  	v49 =	vor.u32 v42, v59;
	v53 =	vld.idx.msk [tilespmem:v55+s12+$0x0], $0xffff;
	v63 =	vadd.s32 v13, v28;
	[tilespmem:s2+$0x40] =	vst v39  }
0x106: {  	v49 =	vor.u32 v12, v49;
	v57 =	vor.u32 v32, v63;
	[tilespmem:s0+$0x40] =	vst v50;
	v35 =	vld.idx.msk [tilespmem:v35+s12+$0x0], $0xffff  }
0x107: {  	v60 =	vadd.s32 v13, v37;
	v58 =	vor.u32 v12, v57;
	[tilespmem:s26+$0x40] =	vst v52;
	v45 =	vld.idx.msk [tilespmem:v45+s12+$0x0], $0xffff  }
0x108: {  	v61 =	vadd.s32 v13, v38;
	v50 =	vor.u32 v30, v60;
	v51 =	vld.idx.msk [tilespmem:v51+s12+$0x0], $0xffff;
	[tilespmem:s8+$0x40] =	vst v54  }
0x109: {  	s16 =	sor.u32 $0x410, s18;
	v55 =	vadd.s32 v21, v26;
	v62 =	vor.u32 v43, v61;
	v50 =	vor.u32 v12, v50;
	v44 =	vld.idx.msk [tilespmem:v44+s12+$0x0], $0xffff  }
0x10a: {  	v59 =	vadd.s32 v15, v40;
	v55 =	vor.u32 v27, v55;
	[tilespmem:s16+$0x12100] =	vst v53;
	v56 =	vor.u32 v12, v62  }
0x10b: {  	v55 =	vor.u32 v20, v55;
	v53 =	vadd.s32 v15, v38;
	v54 =	vadd.s32 v15, v28;
	[tilespmem:s2+$0x50] =	vst v35  }
0x10c: {  	v61 =	vadd.s32 v15, v37;
	v57 =	vor.u32 v32, v54;
	[tilespmem:s0+$0x50] =	vst v45;
	v45 =	vld.idx.msk [tilespmem:v58+s12+$0x0], $0xffff  }
0x10d: {  	v60 =	vor.u32 v42, v59;
	v59 =	vor.u32 v14, v57;
	[tilespmem:s26+$0x50] =	vst v51;
	v48 =	vld.idx.msk [tilespmem:v49+s12+$0x0], $0xffff  }
0x10e: {  	v63 =	vor.u32 v30, v61;
	v62 =	vor.u32 v14, v60;
	v49 =	vld.idx.msk [tilespmem:v50+s12+$0x0], $0xffff;
	[tilespmem:s8+$0x50] =	vst v44  }
0x10f: {  	[tilespmem:s7+$0x12100] =	vst v47;
	v47 =	vor.u32 v14, v63;
	v50 =	vor.u32 v43, v53;
	v39 =	vld.idx.msk [tilespmem:v56+s12+$0x0], $0xffff  }
0x110: {  	[tilespmem:s3+$0x12100] =	vst v46;
	v52 =	vld.idx.msk [tilespmem:v55+s12+$0x0], $0xffff;
	v55 =	vor.u32 v14, v50;
	v56 =	vadd.s32 v23, v26  }
0x111: {  	v61 =	vadd.s32 v17, v37;
	v58 =	vld.idx.msk [tilespmem:v41+s12+$0x0], $0xffff;
	v26 =	vor.u32 v27, v56;
	[tilespmem:s2+$0x60] =	vst v45  }
0x112: {  	v60 =	vadd.s32 v17, v40;
	v26 =	vor.u32 v22, v26;
	[tilespmem:s0+$0x60] =	vst v48;
	v41 =	vld.idx.msk [tilespmem:v59+s12+$0x0], $0xffff  }
0x113: {  	v63 =	vadd.s32 v17, v28;
	v46 =	vor.u32 v42, v60;
	[tilespmem:s26+$0x60] =	vst v49;
	v44 =	vld.idx.msk [tilespmem:v62+s12+$0x0], $0xffff  }
0x114: {  	v46 =	vor.u32 v16, v46;
	v48 =	vor.u32 v30, v61;
	v47 =	vld.idx.msk [tilespmem:v47+s12+$0x0], $0xffff;
	[tilespmem:s8+$0x60] =	vst v39  }
0x115: {  	s19 =	sor.u32 $0x420, s18;
	v50 =	vor.u32 v32, v63;
	v62 =	vadd.s32 v17, v38;
	v48 =	vor.u32 v16, v48;
	v35 =	vld.idx.msk [tilespmem:v55+s12+$0x0], $0xffff  }
0x116: {  	[tilespmem:s19+$0x12100] =	vst v52;
	v27 =	vor.u32 v16, v50;
	v39 =	vor.u32 v43, v62  }
0x117: {  	v36 =	vor.u32 v25, v36;
	v39 =	vor.u32 v16, v39;
	v26 =	vld.idx.msk [tilespmem:v26+s12+$0x0], $0xffff;
	[tilespmem:s2+$0x70] =	vst v41  }
0x118: {  	v36 =	vor.u32 v20, v36;
	s22 =	sadd.s32 $0x4, s25;
	v54 =	vadd.s32 v19, v28;
	v51 =	vadd.s32 v19, v40;
	[tilespmem:s0+$0x70] =	vst v44  }
0x119: {  	p1 =	por !p1, !p1;
	s20 =	sor.u32 $0x420, s11;
	v52 =	vadd.s32 v19, v37;
	[tilespmem:s26+$0x70] =	vst v47;
	s0 =	sand.u32 $0x7, s22;
	v44 =	vld.idx.msk [tilespmem:v46+s12+$0x0], $0xffff;
	v46 =	vor.u32 v42, v51  }
0x11a: {  	s23 =	sadd.s32 $0x2, s24;
	s4 =	simm.s32 $0x1;
	s0 =	sshll.u32 s0, $0x7;
	v45 =	vld.idx.msk [tilespmem:v48+s12+$0x0], $0xffff;
	[tilespmem:s8+$0x70] =	vst v35;
	v46 =	vor.u32 v18, v46;
	v35 =	vor.u32 v30, v52  }
0x11b: {  	s4 =	simm.s32 @!p1 $0x0;
	v53 =	vadd.s32 v19, v38;
	v55 =	vor.u32 v32, v54;
	s26 =	sor.u32 $0x430, s18;
	v27 =	vld.idx.msk [tilespmem:v27+s12+$0x0], $0xffff;
	s24 =	sadd.s32 s1, s0;
	v35 =	vor.u32 v18, v35  }
0x11c: {  	s4 =	sshll.u32 s4, $0x9;
	s3 =	sand.u32 $0x3, s23;
	v47 =	vor.u32 v43, v53;
	v39 =	vld.idx.msk [tilespmem:v39+s12+$0x0], $0xffff;
	s0 =	sadd.s32 $0x180, s24;
	[tilespmem:s26+$0x12100] =	vst v26;
	v26 =	vor.u32 v18, v55  }
0x11d: {  	v33 =	vor.u32 v20, v33;
	s25 =	sshll.u32 s3, $0x8;
	v36 =	vld.idx.msk [tilespmem:v36+s12+$0x0], $0xffff;
	[tilespmem:s20+$0x12100] =	vst v58;
	v56 =	vor.u32 v18, v47;
	s3 =	sadd.s32 $0x80, s24;
	s7 =	sor.u32 $0x400, s0  }
0x11e: {  	v29 =	vor.u32 v22, v29;
	v60 =	vadd.s32 v21, v40;
	v63 =	vadd.s32 v21, v38;
	s2 =	sadd.s32 s1, s25;
	s1 =	sadd.s32 s4, s1;
	s9 =	sor.u32 $0x400, s3;
	[tilespmem:s7+$0x12100] =	vst v44  }
0x11f: {  	v59 =	vor.u32 v24, v34;
	v34 =	vor.u32 v42, v60;
	s8 =	sadd.s32 $0x100, s2;
	s14 =	sor.u32 $0x400, s1;
	[tilespmem:s9+$0x12100] =	vst v45;
	v57 =	vld.idx.msk [tilespmem:v46+s12+$0x0], $0xffff  }
0x120: {  	v24 =	vor.u32 v22, v59;
	v62 =	vadd.s32 v21, v37;
	s10 =	sor.u32 $0x400, s8;
	[tilespmem:s14+$0x12100] =	vst v27;
	v58 =	vld.idx.msk [tilespmem:v35+s12+$0x0], $0xffff  }
0x121: {  	v34 =	vor.u32 v20, v34;
	v41 =	vor.u32 v30, v62;
	[tilespmem:s10+$0x12100] =	vst v39;
	v26 =	vld.idx.msk [tilespmem:v26+s12+$0x0], $0xffff  }
0x122: {  	[tilespmem:s31+$0x12100] =	vst v36;
	v36 =	vor.u32 v43, v63;
	v49 =	vor.u32 v20, v41;
	v61 =	vld.idx.msk [tilespmem:v56+s12+$0x0], $0xffff  }
0x123: {  	v33 =	vld.idx.msk [tilespmem:v33+s12+$0x0], $0xffff;
	v36 =	vor.u32 v20, v36;
	v48 =	vadd.s32 v21, v28;
	v51 =	vor.u32 v25, v31;
	s15 =	sor.u32 $0x410, s0  }
0x124: {  	v54 =	vadd.s32 v23, v38;
	v50 =	vor.u32 v32, v48;
	v25 =	vor.u32 v22, v51;
	s16 =	sor.u32 $0x410, s3;
	[tilespmem:s15+$0x12100] =	vst v57  }
0x125: {  	v24 =	vld.idx.msk [tilespmem:v24+s12+$0x0], $0xffff;
	v52 =	vadd.s32 v23, v40;
	s18 =	sor.u32 $0x410, s1;
	v27 =	vor.u32 v20, v50;
	[tilespmem:s16+$0x12100] =	vst v58  }
0x126: {  	v53 =	vadd.s32 v23, v37;
	s17 =	sor.u32 $0x410, s8;
	[tilespmem:s18+$0x12100] =	vst v26;
	v34 =	vld.idx.msk [tilespmem:v34+s12+$0x0], $0xffff;
	v26 =	vor.u32 v42, v52  }
0x127: {  	v56 =	vor.u32 v30, v53;
	[tilespmem:s17+$0x12100] =	vst v61;
	v26 =	vor.u32 v22, v26;
	v55 =	vld.idx.msk [tilespmem:v49+s12+$0x0], $0xffff  }
0x128: {  	v35 =	vor.u32 v43, v54;
	v30 =	vor.u32 v22, v56;
	v58 =	vld.idx.msk [tilespmem:v36+s12+$0x0], $0xffff  }
0x129: {  	[tilespmem:s30+$0x12100] =	vst v33;
	s19 =	sor.u32 $0x430, s11;
	v25 =	vld.idx.msk [tilespmem:v25+s12+$0x0], $0xffff;
	v59 =	vor.u32 v22, v35  }
0x12a: {  	s20 =	sor.u32 $0x420, s0;
	[tilespmem:s19+$0x12100] =	vst v24;
	v57 =	vadd.s32 v23, v28;
	v27 =	vld.idx.msk [tilespmem:v27+s12+$0x0], $0xffff  }
0x12b: {  	s22 =	sor.u32 $0x420, s3;
	v28 =	vor.u32 v32, v57;
	v61 =	vld.idx.msk [tilespmem:v29+s12+$0x0], $0xffff;
	[tilespmem:s20+$0x12100] =	vst v34  }
0x12c: {  	s23 =	sor.u32 $0x420, s8;
	v60 =	vor.u32 v22, v28;
	[tilespmem:s22+$0x12100] =	vst v55;
	v26 =	vld.idx.msk [tilespmem:v26+s12+$0x0], $0xffff  }
0x12d: {  	[tilespmem:s23+$0x12100] =	vst v58;
	v62 =	vld.idx.msk [tilespmem:v30+s12+$0x0], $0xffff  }
0x12e: {  	s24 =	sor.u32 $0x420, s1;
	[tilespmem:s29+$0x12100] =	vst v25;
	v63 =	vld.idx.msk [tilespmem:v59+s12+$0x0], $0xffff  }
0x12f: {  	[tilespmem:s24+$0x12100] =	vst v27  }
0x130: {  	s0 =	sor.u32 $0x430, s0;
	[tilespmem:s28+$0x12100] =	vst v61  }
0x131: {  	s25 =	sor.u32 $0x430, s3;
	v24 =	vld.idx.msk [tilespmem:v60+s12+$0x0], $0xffff;
	[tilespmem:s0+$0x12100] =	vst v26  }
0x132: {  	p1 =	sne.s32 s21, $0x17;
	s26 =	sor.u32 $0x430, s8;
	[tilespmem:s25+$0x12100] =	vst v62  }
.Ltmp1:
0x133: {  	[tilespmem:s26+$0x12100] =	vst v63;
	(pc) =	sbr.rel @p1 .LBB2_6-.Ltmp1, $4  }
0x134: {  	s29 =	rddreg [dreg:$0xc]  }
0x135: {  	s30 =	rddreg [dreg:$0x2];
	s28 =	sor.u32 $0x430, s1;
	s1 =	sshll.u32 s29, $0x5  }
0x136: {  	s31 =	simm.s32 $0x12100;
	s2 =	simm.s32 $0x0;
	[tilespmem:s28+$0x12100] =	vst v24;
	s0 =	sadd.s32 s30, s1  }
0x137: {  	[hbm4b:s0+s2] =	stream.linear.scatter [tilespmem:s31], [sflag:$0x3], $0x6000, $0x38;
	[tilespmem:$0x1E100] =	vst v63  }
.Ltmp2:
0x138: {  	(pc) =	sbr.rel .LBB2_7-.Ltmp2, $4  }
0x139: {  	s0 =	simm.s32 $0x2  }
0x13a: {  	_ =	swait.ge [sflag:s0], $0x9000  }
0x13b: {  	[sflag:s0] =	ssyncset.done $0x0  }
0x13c: {  	[sflag:s0] =	ssyncadd.s32 $0xFFFF7000  }
.LBB2_6:
0x13d: {  	s0 =	rddreg [dreg:$0x7]  }
0x13e: {  	s1 =	rddreg [dreg:$0xb]  }
0x13f: {  	s0 =	sadd.s32 s1, s0  }
0x140: {  	s0 =	sshrl.u32 s0, $0x3  }
0x141: {  	s0 =	smul.u32 $0x180, s0  }
0x142: {  	s30 =	rddreg [dreg:$0x0]  }
.Ltmp3:
0x143: {  	s31 =	simm.s32 $0x2;
	s0 =	sadd.s32 s30, s0;
	(pc) =	sbr.rel @p0 .LBB2_8-.Ltmp3, $4  }
0x144: {  	[tilespmem:s12], [sflag:$0x1] =	stream.linear.gather [hbm4b:s0+s2], $0x9000, $0x38;
	[tilespmem:$0x1E100] =	vst v63  }
0x145: {  	_ =	swait.ge [sflag:s31], $0x9000  }
0x146: {  	[sflag:s31] =	ssyncset.done $0x0  }
0x147: {  	[sflag:s31] =	ssyncadd.s32 $0xFFFF7000  }
.LBB2_7:
0x148: {  	s0 =	simm.s32 $0x4  }
0x149: {  	_ =	swait.ge [sflag:s0], $0x6000  }
0x14a: {  	[sflag:s0] =	ssyncset.done $0x0  }
0x14b: {  	[sflag:s0] =	ssyncadd.s32 $0xFFFFA000  }
.LBB2_8:
0x14c: {  	s24 =	simm.s32 $0x0;
	s0 =	simm.s32 $0x1;
	s1 =	simm.s32 $0x3  }
0x14d: {  	s23 =	simm.s32 $0x2;
	v24 =	vmov s24;
	v25 =	vmov s0;
	v26 =	vmov s1  }
0x14e: {  	v28 =	vmov s23;
	v27 =	vshll.u32 v24, $0x7;
	v24 =	vshrl.u32 v24, $0x3  }
0x14f: {  	v29 =	vshll.u32 v25, $0x7;
	v30 =	vshrl.u32 v26, $0x3;
	v32 =	vshll.u32 v28, $0x7  }
0x150: {  	v25 =	vshrl.u32 v25, $0x3;
	v28 =	vshrl.u32 v28, $0x3;
	v26 =	vshll.u32 v26, $0x7  }
0x151: {  	v30 =	vmul.u32 $0xC00, v30;
	v25 =	vmul.u32 $0xC00, v25;
	v29 =	vand.u32 $0x280, v29  }
0x152: {  	v31 =	vand.u32 $0x380, v26;
	v26 =	vmul.u32 $0xC00, v28;
	v24 =	vmul.u32 $0xC00, v24  }
0x153: {  	v27 =	vand.u32 $0x200, v27;
	v33 =	vadd.s32 v1, v30;
	v28 =	vadd.s32 v1, v25  }
0x154: {  	v34 =	vadd.s32 v1, v26;
	v51 =	vadd.s32 v1, v24;
	v33 =	vor.u32 v31, v33  }
0x155: {  	v36 =	vadd.s32 v3, v30;
	v28 =	vor.u32 v29, v28;
	v33 =	vor.u32 v0, v33  }
0x156: {  	v35 =	vor.u32 v0, v28;
	v28 =	vand.u32 $0x300, v32;
	v32 =	vor.u32 v27, v51  }
0x157: {  	v37 =	vadd.s32 v3, v25;
	v38 =	vadd.s32 v3, v26;
	v32 =	vor.u32 v0, v32  }
0x158: {  	v39 =	vadd.s32 v3, v24;
	v52 =	vadd.s32 v5, v30;
	v34 =	vor.u32 v28, v34  }
0x159: {  	v40 =	vadd.s32 v5, v25;
	v54 =	vadd.s32 v5, v26;
	v34 =	vor.u32 v0, v34  }
0x15a: {  	v56 =	vadd.s32 v5, v24;
	v59 =	vadd.s32 v7, v30;
	v36 =	vor.u32 v31, v36;
	v33 =	vld.idx.msk [tilespmem:v33+s13+$0x0], $0xffff  }
0x15b: {  	v60 =	vadd.s32 v7, v24;
	v37 =	vor.u32 v29, v37;
	v36 =	vor.u32 v2, v36;
	v35 =	vld.idx.msk [tilespmem:v35+s13+$0x0], $0xffff  }
0x15c: {  	s25 =	simm.s32 $0x180;
	s26 =	sand.u32 $0x7800, s24;
	v61 =	vadd.s32 v7, v25;
	v39 =	vor.u32 v27, v39;
	v37 =	vor.u32 v2, v37;
	v32 =	vld.idx.msk [tilespmem:v32+s13+$0x0], $0xffff  }
0x15d: {  	s3 =	simm.s32 $0x80;
	s0 =	sand.u32 $0x380, s25;
	s2 =	sor.u32 $0x18100, s26;
	v44 =	vadd.s32 v7, v26;
	v46 =	vadd.s32 v9, v30;
	v39 =	vor.u32 v2, v39  }
0x15e: {  	s4 =	simm.s32 $0x0;
	s30 =	sand.u32 $0x280, s3;
	s1 =	sadd.s32 s0, s2;
	v47 =	vadd.s32 v9, v24;
	v41 =	vadd.s32 v9, v25;
	v38 =	vor.u32 v28, v38;
	v34 =	vld.idx.msk [tilespmem:v34+s13+$0x0], $0xffff  }
0x15f: {  	s4 =	sand.u32 $0x200, s4;
	s0 =	sor.u32 s30, s2;
	v50 =	vadd.s32 v9, v26;
	v53 =	vor.u32 v29, v40;
	v38 =	vor.u32 v2, v38;
	[tilespmem:s1+$0x0] =	vst v33  }
0x160: {  	s31 =	simm.s32 $0x100;
	s7 =	sor.u32 s4, s2;
	s4 =	simm.s32 $0x4;
	v63 =	vor.u32 v29, v61;
	[tilespmem:s0+$0x0] =	vst v35;
	v33 =	vor.u32 v31, v52;
	v36 =	vld.idx.msk [tilespmem:v36+s13+$0x0], $0xffff  }
0x161: {  	s3 =	sand.u32 $0x300, s31;
	v48 =	vmov s4;
	v40 =	vor.u32 v31, v46;
	v35 =	vld.idx.msk [tilespmem:v37+s13+$0x0], $0xffff;
	v33 =	vor.u32 v4, v33;
	[tilespmem:s7+$0x0] =	vst v32  }
0x162: {  	s3 =	sadd.s32 s3, s2;
	v49 =	vor.u32 v29, v41;
	v55 =	vor.u32 v4, v53;
	v37 =	vor.u32 v27, v56;
	v39 =	vld.idx.msk [tilespmem:v39+s13+$0x0], $0xffff  }
0x163: {  	v46 =	vadd.s32 v23, v24;
	v41 =	vadd.s32 v21, v26;
	[tilespmem:s3+$0x0] =	vst v34;
	v37 =	vor.u32 v4, v37  }
0x164: {  	v42 =	vor.u32 v8, v40;
	v51 =	vshll.u32 v48, $0x7;
	v58 =	vor.u32 v28, v54;
	v57 =	vld.idx.msk [tilespmem:v38+s13+$0x0], $0xffff  }
0x165: {  	v43 =	vor.u32 v8, v49;
	v45 =	vor.u32 v28, v44;
	v38 =	vor.u32 v4, v58;
	[tilespmem:s1+$0x10] =	vst v36  }
0x166: {  	v40 =	vand.u32 $0x200, v51;
	v51 =	vadd.s32 v19, v24;
	[tilespmem:s0+$0x10] =	vst v35;
	v36 =	vor.u32 v31, v59;
	v33 =	vld.idx.msk [tilespmem:v33+s13+$0x0], $0xffff  }
0x167: {  	v41 =	vor.u32 v28, v41;
	v34 =	vld.idx.msk [tilespmem:v55+s13+$0x0], $0xffff;
	v62 =	vor.u32 v6, v36;
	[tilespmem:s7+$0x10] =	vst v39  }
0x168: {  	v41 =	vor.u32 v20, v41;
	v35 =	vor.u32 v27, v60;
	v36 =	vor.u32 v6, v63;
	v37 =	vld.idx.msk [tilespmem:v37+s13+$0x0], $0xffff  }
0x169: {  	v52 =	vor.u32 v28, v50;
	v50 =	vadd.s32 v17, v24;
	v35 =	vor.u32 v6, v35;
	[tilespmem:s3+$0x10] =	vst v57  }
0x16a: {  	v54 =	vor.u32 v8, v52;
	v56 =	vadd.s32 v11, v30;
	v58 =	vadd.s32 v11, v25;
	v38 =	vld.idx.msk [tilespmem:v38+s13+$0x0], $0xffff  }
0x16b: {  	s6 =	simm.s32 $0x6;
	v52 =	vadd.s32 v13, v24;
	v59 =	vor.u32 v29, v58;
	v39 =	vor.u32 v6, v45;
	[tilespmem:s1+$0x20] =	vst v33  }
0x16c: {  	s5 =	simm.s32 $0x5;
	v44 =	vmov s6;
	v60 =	vadd.s32 v11, v26;
	v63 =	vadd.s32 v21, v24;
	[tilespmem:s0+$0x20] =	vst v34;
	v32 =	vld.idx.msk [tilespmem:v62+s13+$0x0], $0xffff  }
0x16d: {  	v55 =	vmov s5;
	v57 =	vadd.s32 v11, v24;
	v33 =	vor.u32 v27, v47;
	v36 =	vld.idx.msk [tilespmem:v36+s13+$0x0], $0xffff;
	[tilespmem:s7+$0x20] =	vst v37  }
0x16e: {  	v34 =	vshrl.u32 v48, $0x3;
	v47 =	vshll.u32 v44, $0x7;
	v45 =	vor.u32 v8, v33;
	v35 =	vld.idx.msk [tilespmem:v35+s13+$0x0], $0xffff  }
0x16f: {  	v33 =	vor.u32 v31, v56;
	v62 =	vor.u32 v28, v60;
	v37 =	vor.u32 v27, v63;
	[tilespmem:s3+$0x20] =	vst v38  }
0x170: {  	v63 =	vadd.s32 v15, v30;
	v48 =	vor.u32 v10, v33;
	v33 =	vmul.u32 $0xC00, v34;
	v53 =	vld.idx.msk [tilespmem:v39+s13+$0x0], $0xffff  }
0x171: {  	v34 =	vor.u32 v10, v59;
	v59 =	vadd.s32 v13, v26;
	v37 =	vor.u32 v20, v37;
	[tilespmem:s1+$0x30] =	vst v32  }
0x172: {  	v38 =	vshll.u32 v55, $0x7;
	[tilespmem:s0+$0x30] =	vst v36;
	v32 =	vor.u32 v27, v57;
	v36 =	vadd.s32 v5, v33;
	v42 =	vld.idx.msk [tilespmem:v42+s13+$0x0], $0xffff  }
0x173: {  	v57 =	vadd.s32 v13, v25;
	v61 =	vld.idx.msk [tilespmem:v43+s13+$0x0], $0xffff;
	[tilespmem:s7+$0x30] =	vst v35;
	v43 =	vshrl.u32 v55, $0x3;
	v35 =	vor.u32 v10, v62  }
0x174: {  	v49 =	vor.u32 v10, v32;
	v32 =	vadd.s32 v7, v33;
	v58 =	vor.u32 v29, v57  }
0x175: {  	v57 =	vadd.s32 v1, v33;
	v62 =	vor.u32 v27, v52;
	v36 =	vor.u32 v40, v36;
	[tilespmem:s3+$0x30] =	vst v53  }
0x176: {  	v45 =	vld.idx.msk [tilespmem:v45+s13+$0x0], $0xffff;
	v53 =	vadd.s32 v15, v24;
	v24 =	vadd.s32 v13, v30;
	v60 =	vor.u32 v12, v58  }
0x177: {  	v58 =	vor.u32 v12, v62;
	v57 =	vor.u32 v40, v57;
	v36 =	vor.u32 v4, v36;
	v39 =	vld.idx.msk [tilespmem:v54+s13+$0x0], $0xffff  }
0x178: {  	v32 =	vor.u32 v40, v32;
	v24 =	vor.u32 v31, v24;
	v53 =	vor.u32 v27, v53;
	[tilespmem:s1+$0x40] =	vst v42  }
0x179: {  	v32 =	vor.u32 v6, v32;
	v54 =	vor.u32 v12, v24;
	v24 =	vand.u32 $0x280, v38;
	[tilespmem:s0+$0x40] =	vst v61;
	v42 =	vld.idx.msk [tilespmem:v48+s13+$0x0], $0xffff  }
0x17a: {  	v38 =	vadd.s32 v23, v25;
	v53 =	vor.u32 v14, v53;
	v61 =	vor.u32 v28, v59;
	v55 =	vld.idx.msk [tilespmem:v34+s13+$0x0], $0xffff  }
0x17b: {  	v59 =	vadd.s32 v15, v25;
	[tilespmem:s7+$0x40] =	vst v45;
	v52 =	vor.u32 v12, v61;
	v34 =	vor.u32 v27, v46  }
0x17c: {  	v48 =	vshrl.u32 v44, $0x3;
	v44 =	vadd.s32 v21, v25;
	v46 =	vor.u32 v31, v63;
	[tilespmem:s3+$0x40] =	vst v39;
	v49 =	vld.idx.msk [tilespmem:v49+s13+$0x0], $0xffff  }
0x17d: {  	v61 =	vadd.s32 v15, v26;
	v39 =	vadd.s32 v3, v33;
	v46 =	vor.u32 v14, v46;
	v56 =	vld.idx.msk [tilespmem:v35+s13+$0x0], $0xffff  }
0x17e: {  	v62 =	vor.u32 v28, v61;
	v44 =	vor.u32 v29, v44;
	v34 =	vor.u32 v22, v34;
	[tilespmem:s1+$0x50] =	vst v42  }
0x17f: {  	v35 =	vadd.s32 v23, v26;
	v39 =	vor.u32 v40, v39;
	[tilespmem:s0+$0x50] =	vst v55;
	v54 =	vld.idx.msk [tilespmem:v54+s13+$0x0], $0xffff  }
0x180: {  	v44 =	vor.u32 v20, v44;
	v39 =	vor.u32 v2, v39;
	v45 =	vld.idx.msk [tilespmem:v60+s13+$0x0], $0xffff;
	v60 =	vor.u32 v29, v59  }
0x181: {  	v42 =	vmul.u32 $0xC00, v43;
	v43 =	vmul.u32 $0xC00, v48;
	[tilespmem:s7+$0x50] =	vst v49;
	v48 =	vor.u32 v14, v60  }
0x182: {  	v55 =	vadd.s32 v19, v25;
	v25 =	vadd.s32 v17, v25;
	[tilespmem:s3+$0x50] =	vst v56;
	v56 =	vld.idx.msk [tilespmem:v58+s13+$0x0], $0xffff  }
0x183: {  	v49 =	vor.u32 v27, v51;
	v51 =	vor.u32 v14, v62;
	v27 =	vor.u32 v27, v50;
	v52 =	vld.idx.msk [tilespmem:v52+s13+$0x0], $0xffff  }
0x184: {  	s8 =	simm.s32 $0x7;
	v50 =	vadd.s32 v19, v26;
	[tilespmem:s1+$0x60] =	vst v54;
	v54 =	vadd.s32 v17, v26;
	v26 =	vadd.s32 v17, v30  }
0x185: {  	v59 =	vmov s8;
	v25 =	vor.u32 v29, v25;
	[tilespmem:s0+$0x60] =	vst v45;
	v46 =	vld.idx.msk [tilespmem:v46+s13+$0x0], $0xffff;
	v26 =	vor.u32 v31, v26  }
0x186: {  	v58 =	vadd.s32 v1, v42;
	v63 =	vshll.u32 v59, $0x7;
	v48 =	vld.idx.msk [tilespmem:v48+s13+$0x0], $0xffff;
	v60 =	vor.u32 v16, v26  }
0x187: {  	v50 =	vor.u32 v28, v50;
	[tilespmem:s7+$0x60] =	vst v56;
	v56 =	vor.u32 v16, v25;
	v26 =	vshrl.u32 v59, $0x3  }
0x188: {  	v25 =	vor.u32 v28, v54;
	[tilespmem:s3+$0x60] =	vst v52;
	v52 =	vor.u32 v0, v57;
	v53 =	vld.idx.msk [tilespmem:v53+s13+$0x0], $0xffff;
	v26 =	vmul.u32 $0xC00, v26  }
0x189: {  	v45 =	vadd.s32 v1, v43;
	v57 =	vor.u32 v16, v27;
	v59 =	vor.u32 v16, v25;
	v51 =	vld.idx.msk [tilespmem:v51+s13+$0x0], $0xffff  }
0x18a: {  	v25 =	vor.u32 v24, v58;
	v27 =	vand.u32 $0x380, v63;
	v61 =	vadd.s32 v1, v26;
	[tilespmem:s1+$0x70] =	vst v46  }
0x18b: {  	p0 =	por $0x0, $0x0;
	s9 =	sand.u32 $0x7, s24;
	s2 =	simm.s32 $0x1;
	v46 =	vor.u32 v0, v25;
	v54 =	vor.u32 v27, v61;
	v25 =	vand.u32 $0x300, v47;
	[tilespmem:s0+$0x70] =	vst v48;
	v58 =	vld.idx.msk [tilespmem:v60+s13+$0x0], $0xffff  }
0x18c: {  	s11 =	sand.u32 $0x3, s24;
	s10 =	sshll.u32 s9, $0x7;
	s2 =	simm.s32 @!p0 $0x0;
	v49 =	vor.u32 v18, v49;
	v62 =	vor.u32 v0, v54;
	v45 =	vor.u32 v25, v45;
	v54 =	vld.idx.msk [tilespmem:v56+s13+$0x0], $0xffff  }
0x18d: {  	s15 =	sshll.u32 s2, $0x9;
	s0 =	sadd.s32 $0x0, s10;
	s1 =	sshll.u32 s11, $0x8;
	v60 =	vadd.s32 v19, v30;
	v52 =	vld.idx.msk [tilespmem:v52+s13+$0x0], $0xffff;
	[tilespmem:s7+$0x70] =	vst v53;
	v45 =	vor.u32 v0, v45  }
0x18e: {  	v50 =	vor.u32 v18, v50;
	s4 =	sadd.s32 $0x180, s0;
	s5 =	sadd.s32 $0x80, s0;
	s0 =	simm.s32 $0x400;
	v63 =	vor.u32 v31, v60;
	[tilespmem:s3+$0x70] =	vst v51;
	v56 =	vld.idx.msk [tilespmem:v57+s13+$0x0], $0xffff  }
0x18f: {  	v28 =	vor.u32 v28, v35;
	s10 =	simm.s32 $0x200;
	v60 =	vor.u32 v29, v55;
	s14 =	sor.u32 $0x400, s4;
	s8 =	sand.u32 $0x7800, s0;
	v48 =	vor.u32 v18, v63;
	v53 =	vld.idx.msk [tilespmem:v59+s13+$0x0], $0xffff  }
0x190: {  	v28 =	vor.u32 v22, v28;
	s31 =	sand.u32 $0x200, s10;
	s16 =	sor.u32 $0x400, s5;
	v51 =	vor.u32 v18, v60;
	s18 =	sor.u32 $0x18100, s8;
	v46 =	vld.idx.msk [tilespmem:v46+s13+$0x0], $0xffff;
	[tilespmem:s14+$0x18100] =	vst v58  }
0x191: {  	s2 =	sadd.s32 $0x0, s15;
	s1 =	sadd.s32 $0x0, s1;
	v57 =	vadd.s32 v3, v42;
	v60 =	vadd.s32 v3, v26;
	s10 =	sor.u32 s31, s18;
	v47 =	vld.idx.msk [tilespmem:v62+s13+$0x0], $0xffff;
	[tilespmem:s16+$0x18100] =	vst v54  }
0x192: {  	s25 =	simm.s32 $0x280;
	s17 =	sor.u32 $0x400, s2;
	s3 =	sadd.s32 $0x100, s1;
	v57 =	vor.u32 v24, v57;
	v60 =	vor.u32 v27, v60;
	[tilespmem:s10+$0x0] =	vst v52;
	v45 =	vld.idx.msk [tilespmem:v45+s13+$0x0], $0xffff  }
0x193: {  	s7 =	sand.u32 $0x280, s25;
	s1 =	simm.s32 $0x380;
	s6 =	sor.u32 $0x400, s3;
	v58 =	vadd.s32 v3, v43;
	v62 =	vor.u32 v2, v57;
	[tilespmem:s17+$0x18100] =	vst v56;
	v39 =	vld.idx.msk [tilespmem:v39+s13+$0x0], $0xffff  }
0x194: {  	s26 =	simm.s32 $0x300;
	s22 =	sand.u32 $0x380, s1;
	s20 =	sor.u32 s7, s18;
	v60 =	vor.u32 v2, v60;
	v63 =	vor.u32 v25, v58;
	v48 =	vld.idx.msk [tilespmem:v48+s13+$0x0], $0xffff;
	[tilespmem:s6+$0x18100] =	vst v53  }
0x195: {  	s30 =	sand.u32 $0x300, s26;
	v61 =	vadd.s32 v21, v30;
	s11 =	sadd.s32 s22, s18;
	v51 =	vld.idx.msk [tilespmem:v51+s13+$0x0], $0xffff;
	v56 =	vor.u32 v2, v63;
	[tilespmem:s20+$0x0] =	vst v46  }
0x196: {  	v61 =	vor.u32 v31, v61;
	v30 =	vadd.s32 v23, v30;
	s19 =	sadd.s32 s30, s18;
	v49 =	vld.idx.msk [tilespmem:v49+s13+$0x0], $0xffff;
	[tilespmem:s11+$0x0] =	vst v47  }
0x197: {  	v55 =	vadd.s32 v5, v42;
	v53 =	vor.u32 v20, v61;
	v50 =	vld.idx.msk [tilespmem:v50+s13+$0x0], $0xffff;
	[tilespmem:s19+$0x0] =	vst v45  }
0x198: {  	s9 =	sor.u32 $0x410, s4;
	v30 =	vor.u32 v31, v30;
	v29 =	vor.u32 v29, v38;
	v62 =	vld.idx.msk [tilespmem:v62+s13+$0x0], $0xffff;
	[tilespmem:s10+$0x10] =	vst v39  }
0x199: {  	v59 =	vadd.s32 v5, v43;
	s7 =	sor.u32 $0x410, s5;
	v47 =	vld.idx.msk [tilespmem:v60+s13+$0x0], $0xffff;
	v60 =	vadd.s32 v5, v26;
	[tilespmem:s9+$0x18100] =	vst v48  }
0x19a: {  	v31 =	vor.u32 v24, v55;
	s14 =	sor.u32 $0x410, s2;
	v61 =	vor.u32 v27, v60;
	v56 =	vld.idx.msk [tilespmem:v56+s13+$0x0], $0xffff;
	[tilespmem:s7+$0x18100] =	vst v51  }
0x19b: {  	v30 =	vor.u32 v22, v30;
	s8 =	sor.u32 $0x410, s3;
	v36 =	vld.idx.msk [tilespmem:v36+s13+$0x0], $0xffff;
	[tilespmem:s14+$0x18100] =	vst v49;
	v63 =	vor.u32 v4, v61  }
0x19c: {  	v31 =	vor.u32 v4, v31;
	v57 =	vor.u32 v25, v59;
	v48 =	vld.idx.msk [tilespmem:v53+s13+$0x0], $0xffff;
	[tilespmem:s8+$0x18100] =	vst v50  }
0x19d: {  	v29 =	vor.u32 v22, v29;
	v58 =	vor.u32 v4, v57;
	v44 =	vld.idx.msk [tilespmem:v44+s13+$0x0], $0xffff;
	[tilespmem:s20+$0x10] =	vst v62  }
0x19e: {  	v55 =	vadd.s32 v9, v43;
	v61 =	vadd.s32 v7, v26;
	v37 =	vld.idx.msk [tilespmem:v37+s13+$0x0], $0xffff;
	[tilespmem:s11+$0x10] =	vst v47  }
0x19f: {  	v51 =	vadd.s32 v9, v42;
	v59 =	vld.idx.msk [tilespmem:v41+s13+$0x0], $0xffff;
	v45 =	vor.u32 v27, v61;
	[tilespmem:s19+$0x10] =	vst v56  }
0x1a0: {  	s9 =	sor.u32 $0x420, s4;
	v62 =	vadd.s32 v7, v42;
	v45 =	vor.u32 v6, v45;
	[tilespmem:s10+$0x20] =	vst v36;
	v60 =	vld.idx.msk [tilespmem:v63+s13+$0x0], $0xffff  }
0x1a1: {  	s15 =	sor.u32 $0x420, s5;
	v31 =	vld.idx.msk [tilespmem:v31+s13+$0x0], $0xffff;
	[tilespmem:s9+$0x18100] =	vst v48;
	v63 =	vor.u32 v24, v62;
	v48 =	vadd.s32 v7, v43  }
0x1a2: {  	s18 =	sor.u32 $0x420, s2;
	s16 =	simm.s32 $0x8;
	v46 =	vld.idx.msk [tilespmem:v58+s13+$0x0], $0xffff;
	[tilespmem:s15+$0x18100] =	vst v44;
	v39 =	vor.u32 v6, v63;
	v47 =	vor.u32 v25, v48  }
0x1a3: {  	s17 =	sor.u32 $0x420, s3;
	v52 =	vmov s16;
	v53 =	vor.u32 v24, v51;
	[tilespmem:s18+$0x18100] =	vst v37;
	v30 =	vld.idx.msk [tilespmem:v30+s13+$0x0], $0xffff;
	v47 =	vor.u32 v6, v47  }
0x1a4: {  	s22 =	simm.s32 $0x9;
	v50 =	vadd.s32 v9, v26;
	v56 =	vshll.u32 v52, $0x7;
	v36 =	vor.u32 v8, v53;
	v57 =	vld.idx.msk [tilespmem:v32+s13+$0x0], $0xffff;
	[tilespmem:s17+$0x18100] =	vst v59  }
0x1a5: {  	v53 =	vadd.s32 v17, v33;
	v58 =	vor.u32 v25, v55;
	v62 =	vmov s22;
	v29 =	vld.idx.msk [tilespmem:v29+s13+$0x0], $0xffff;
	[tilespmem:s11+$0x20] =	vst v60  }
0x1a6: {  	v32 =	vand.u32 $0x200, v56;
	v55 =	vadd.s32 v11, v42;
	[tilespmem:s20+$0x20] =	vst v31;
	v31 =	vor.u32 v27, v50;
	v35 =	vld.idx.msk [tilespmem:v45+s13+$0x0], $0xffff  }
0x1a7: {  	s25 =	simm.s32 $0xA;
	s4 =	sor.u32 $0x430, s4;
	v37 =	vadd.s32 v21, v33;
	v59 =	vshrl.u32 v52, $0x3;
	v31 =	vor.u32 v8, v31;
	[tilespmem:s19+$0x20] =	vst v46;
	v39 =	vld.idx.msk [tilespmem:v39+s13+$0x0], $0xffff  }
0x1a8: {  	v63 =	vmov s25;
	v48 =	vadd.s32 v19, v33;
	[tilespmem:s4+$0x18100] =	vst v30;
	v30 =	vadd.s32 v9, v33;
	v54 =	vld.idx.msk [tilespmem:v47+s13+$0x0], $0xffff  }
0x1a9: {  	s26 =	sor.u32 $0x430, s5;
	v52 =	vadd.s32 v15, v33;
	v60 =	vor.u32 v8, v58;
	v30 =	vor.u32 v40, v30  }
0x1aa: {  	v61 =	vld.idx.msk [tilespmem:v28+s13+$0x0], $0xffff;
	v28 =	vadd.s32 v11, v26;
	v49 =	vshrl.u32 v63, $0x3;
	[tilespmem:s26+$0x18100] =	vst v29;
	v30 =	vor.u32 v8, v30  }
0x1ab: {  	v34 =	vld.idx.msk [tilespmem:v34+s13+$0x0], $0xffff;
	v50 =	vadd.s32 v23, v33;
	v28 =	vor.u32 v27, v28;
	v38 =	vmul.u32 $0xC00, v49;
	[tilespmem:s11+$0x30] =	vst v35  }
0x1ac: {  	v49 =	vor.u32 v40, v53;
	v56 =	vor.u32 v10, v28;
	v28 =	vmul.u32 $0xC00, v59;
	[tilespmem:s20+$0x30] =	vst v39;
	v31 =	vld.idx.msk [tilespmem:v31+s13+$0x0], $0xffff  }
0x1ad: {  	v46 =	vshll.u32 v62, $0x7;
	v58 =	vadd.s32 v11, v43;
	v29 =	vadd.s32 v11, v33;
	v36 =	vld.idx.msk [tilespmem:v36+s13+$0x0], $0xffff;
	[tilespmem:s19+$0x30] =	vst v54  }
0x1ae: {  	[tilespmem:s10+$0x30] =	vst v57;
	v45 =	vshll.u32 v63, $0x7;
	v44 =	vadd.s32 v3, v28;
	v35 =	vor.u32 v24, v55;
	v57 =	vld.idx.msk [tilespmem:v60+s13+$0x0], $0xffff  }
0x1af: {  	s3 =	sor.u32 $0x430, s3;
	v47 =	vshrl.u32 v62, $0x3;
	v59 =	vld.idx.msk [tilespmem:v30+s13+$0x0], $0xffff;
	v30 =	vor.u32 v10, v35;
	v60 =	vor.u32 v25, v58  }
0x1b0: {  	s2 =	sor.u32 $0x430, s2;
	[tilespmem:s3+$0x18100] =	vst v61;
	v29 =	vor.u32 v40, v29;
	v61 =	vadd.s32 v13, v26;
	v41 =	vor.u32 v10, v60  }
0x1b1: {  	[tilespmem:s2+$0x18100] =	vst v34;
	v62 =	vadd.s32 v13, v42;
	v29 =	vor.u32 v10, v29;
	v34 =	vor.u32 v27, v61  }
0x1b2: {  	v63 =	vor.u32 v12, v34;
	v34 =	vadd.s32 v23, v42;
	v39 =	vadd.s32 v5, v28;
	[tilespmem:s11+$0x40] =	vst v31  }
0x1b3: {  	v35 =	vadd.s32 v7, v28;
	v31 =	vadd.s32 v13, v33;
	[tilespmem:s20+$0x40] =	vst v36;
	v33 =	vld.idx.msk [tilespmem:v56+s13+$0x0], $0xffff  }
0x1b4: {  	v60 =	vadd.s32 v13, v43;
	v36 =	vadd.s32 v21, v43;
	[tilespmem:s19+$0x40] =	vst v57;
	v51 =	vld.idx.msk [tilespmem:v30+s13+$0x0], $0xffff  }
0x1b5: {  	v30 =	vand.u32 $0x280, v46;
	[tilespmem:s10+$0x40] =	vst v59;
	v59 =	vor.u32 v24, v62;
	v62 =	vor.u32 v25, v60;
	v61 =	vld.idx.msk [tilespmem:v41+s13+$0x0], $0xffff  }
0x1b6: {  	v56 =	vadd.s32 v1, v28;
	v46 =	vor.u32 v40, v48;
	v54 =	vor.u32 v12, v59  }
0x1b7: {  	v48 =	vadd.s32 v19, v42;
	v55 =	vld.idx.msk [tilespmem:v29+s13+$0x0], $0xffff;
	v29 =	vor.u32 v40, v31;
	v57 =	vor.u32 v12, v62  }
0x1b8: {  	v31 =	vadd.s32 v23, v43;
	v58 =	vor.u32 v12, v29;
	v29 =	vor.u32 v40, v50;
	[tilespmem:s11+$0x50] =	vst v33  }
0x1b9: {  	v33 =	vor.u32 v40, v37;
	[tilespmem:s20+$0x50] =	vst v51;
	v59 =	vld.idx.msk [tilespmem:v63+s13+$0x0], $0xffff;
	v63 =	vadd.s32 v15, v26  }
0x1ba: {  	p0 =	por !p0, !p0;
	s30 =	sand.u32 $0x3, s23;
	s2 =	simm.s32 $0x1;
	v37 =	vmul.u32 $0xC00, v47;
	v51 =	vadd.s32 v15, v42;
	[tilespmem:s19+$0x50] =	vst v61;
	v50 =	vor.u32 v27, v63  }
0x1bb: {  	s2 =	simm.s32 @!p0 $0x0;
	s3 =	sshll.u32 s30, $0x8;
	v61 =	vld.idx.msk [tilespmem:v54+s13+$0x0], $0xffff;
	v47 =	vor.u32 v24, v51;
	v63 =	vadd.s32 v15, v43;
	v60 =	vor.u32 v14, v50  }
0x1bc: {  	s2 =	sshll.u32 s2, $0x9;
	s3 =	sadd.s32 $0x400, s3;
	[tilespmem:s10+$0x50] =	vst v55;
	v55 =	vor.u32 v14, v47;
	v50 =	vld.idx.msk [tilespmem:v57+s13+$0x0], $0xffff;
	v57 =	vor.u32 v25, v63  }
0x1bd: {  	s18 =	simm.s32 $0xC;
	s2 =	sadd.s32 $0x400, s2;
	s31 =	sadd.s32 $0x100, s3;
	v41 =	vadd.s32 v21, v42;
	v62 =	vor.u32 v40, v52;
	v51 =	vld.idx.msk [tilespmem:v58+s13+$0x0], $0xffff;
	v54 =	vor.u32 v14, v57  }
0x1be: {  	s9 =	sor.u32 $0x400, s2;
	s15 =	sor.u32 $0x400, s31;
	s7 =	sor.u32 $0x410, s31;
	v56 =	vor.u32 v32, v56;
	v52 =	vor.u32 v14, v62;
	v42 =	vadd.s32 v17, v42  }
0x1bf: {  	s3 =	sor.u32 $0x410, s2;
	s28 =	sor.u32 $0x420, s2;
	s29 =	sor.u32 $0x420, s31;
	v47 =	vadd.s32 v19, v43;
	v43 =	vadd.s32 v17, v43;
	v63 =	vadd.s32 v17, v26;
	[tilespmem:s11+$0x60] =	vst v59  }
0x1c0: {  	s25 =	sor.u32 $0x430, s2;
	s26 =	sor.u32 $0x430, s31;
	s2 =	simm.s32 $0xB;
	v57 =	vadd.s32 v1, v37;
	v58 =	vor.u32 v27, v63;
	[tilespmem:s20+$0x60] =	vst v61;
	v53 =	vld.idx.msk [tilespmem:v60+s13+$0x0], $0xffff  }
.LBB2_9:
0x1c1: {  	p1 =	slt.u32 s18, $0x5C;
	v59 =	vadd.s32 v1, v38;
	v60 =	vmov s2;
	v55 =	vld.idx.msk [tilespmem:v55+s13+$0x0], $0xffff;
	[tilespmem:s19+$0x60] =	vst v50;
	v50 =	vor.u32 v16, v58;
	v40 =	vmovc v32  }
0x1c2: {  	v32 =	vor.u32 v0, v56;
	v58 =	vor.u32 v24, v42;
	v56 =	vshrl.u32 v60, $0x3;
	[tilespmem:s10+$0x60] =	vst v51;
	v51 =	vld.idx.msk [tilespmem:v54+s13+$0x0], $0xffff  }
0x1c3: {  	v61 =	vor.u32 v25, v43;
	v42 =	vmovc v37;
	v54 =	vmul.u32 $0xC00, v56;
	v52 =	vld.idx.msk [tilespmem:v52+s13+$0x0], $0xffff;
	v56 =	vor.u32 v16, v58  }
0x1c4: {  	v49 =	vor.u32 v16, v49;
	v43 =	vmovc v38;
	v37 =	vshll.u32 v60, $0x7;
	v58 =	vor.u32 v16, v61  }
0x1c5: {  	v38 =	vor.u32 v30, v57;
	v37 =	vand.u32 $0x380, v37;
	v57 =	vadd.s32 v1, v54;
	[tilespmem:s11+$0x70] =	vst v53  }
0x1c6: {  	s24 =	sadd.s32 $0x4, s24;
	v38 =	vor.u32 v0, v38;
	v53 =	vor.u32 v37, v57;
	v50 =	vld.idx.msk [tilespmem:v50+s13+$0x0], $0xffff;
	v57 =	vadd.s32 v19, v26  }
0x1c7: {  	s2 =	sand.u32 $0x7, s24;
	v60 =	vld.idx.msk [tilespmem:v32+s13+$0x0], $0xffff;
	v32 =	vand.u32 $0x300, v45;
	v45 =	vor.u32 v0, v53;
	[tilespmem:s20+$0x70] =	vst v55;
	v53 =	vor.u32 v27, v57  }
0x1c8: {  	s2 =	sshll.u32 s2, $0x7;
	v55 =	vor.u32 v32, v59;
	v56 =	vld.idx.msk [tilespmem:v56+s13+$0x0], $0xffff;
	[tilespmem:s19+$0x70] =	vst v51;
	v51 =	vor.u32 v18, v53  }
0x1c9: {  	v48 =	vor.u32 v24, v48;
	s23 =	sadd.s32 $0x2, s23;
	s2 =	sadd.s32 s0, s2;
	v53 =	vor.u32 v0, v55;
	[tilespmem:s10+$0x70] =	vst v52;
	v52 =	vld.idx.msk [tilespmem:v58+s13+$0x0], $0xffff  }
0x1ca: {  	v47 =	vor.u32 v25, v47;
	p0 =	por !p0, !p0;
	v48 =	vor.u32 v18, v48;
	s6 =	sadd.s32 $0x80, s2;
	s5 =	sadd.s32 $0x180, s2;
	v55 =	vadd.s32 v5, v42;
	v49 =	vld.idx.msk [tilespmem:v49+s13+$0x0], $0xffff  }
0x1cb: {  	v47 =	vor.u32 v18, v47;
	s8 =	sor.u32 $0x400, s6;
	s16 =	sor.u32 $0x410, s6;
	v57 =	vadd.s32 v3, v42;
	v58 =	vadd.s32 v5, v43;
	s10 =	sor.u32 $0x400, s5;
	v38 =	vld.idx.msk [tilespmem:v38+s13+$0x0], $0xffff  }
0x1cc: {  	v46 =	vor.u32 v18, v46;
	s4 =	sor.u32 $0x420, s6;
	s2 =	sor.u32 $0x430, s6;
	v59 =	vadd.s32 v3, v54;
	v45 =	vld.idx.msk [tilespmem:v45+s13+$0x0], $0xffff;
	[tilespmem:s10+$0x18100] =	vst v50;
	s10 =	simm.s32 $0x1  }
0x1cd: {  	v61 =	vadd.s32 v21, v26;
	s6 =	sand.u32 $0x3, s23;
	v59 =	vor.u32 v37, v59;
	v50 =	vadd.s32 v3, v43;
	s10 =	simm.s32 @!p0 $0x0;
	v51 =	vld.idx.msk [tilespmem:v51+s13+$0x0], $0xffff  }
0x1ce: {  	s0 =	sadd.s32 $0x400, s0;
	s6 =	sshll.u32 s6, $0x8;
	v59 =	vor.u32 v2, v59;
	s14 =	sshll.u32 s10, $0x9;
	v53 =	vld.idx.msk [tilespmem:v53+s13+$0x0], $0xffff;
	[tilespmem:s8+$0x18100] =	vst v56;
	v56 =	vor.u32 v27, v61  }
0x1cf: {  	s1 =	sadd.s32 $0x200, s1;
	s6 =	sadd.s32 s0, s6;
	v57 =	vor.u32 v30, v57;
	s8 =	sand.u32 $0x7800, s0;
	v48 =	vld.idx.msk [tilespmem:v48+s13+$0x0], $0xffff;
	[tilespmem:s15+$0x18100] =	vst v52;
	v52 =	vor.u32 v20, v56  }
0x1d0: {  	s11 =	sand.u32 $0x380, s1;
	v50 =	vor.u32 v32, v50;
	s10 =	sadd.s32 $0xFFFFFE80, s1;
	s8 =	sor.u32 $0x18100, s8;
	v56 =	vor.u32 v2, v57;
	[tilespmem:s9+$0x18100] =	vst v49;
	v47 =	vld.idx.msk [tilespmem:v47+s13+$0x0], $0xffff  }
0x1d1: {  	v41 =	vor.u32 v24, v41;
	v44 =	vor.u32 v40, v44;
	s15 =	sadd.s32 $0xFFFFFF80, s1;
	s9 =	sadd.s32 $0xFFFFFF00, s1;
	v49 =	vor.u32 v2, v50;
	s11 =	sadd.s32 s11, s8;
	v46 =	vld.idx.msk [tilespmem:v46+s13+$0x0], $0xffff  }
0x1d2: {  	v36 =	vor.u32 v25, v36;
	v41 =	vor.u32 v20, v41;
	v44 =	vor.u32 v2, v44;
	s17 =	sor.u32 $0x410, s5;
	s10 =	sand.u32 $0x200, s10;
	s9 =	sand.u32 $0x280, s9;
	[tilespmem:s11+$0x0] =	vst v45  }
0x1d3: {  	v36 =	vor.u32 v20, v36;
	s10 =	sor.u32 s10, s8;
	v50 =	vadd.s32 v5, v54;
	s20 =	sor.u32 s9, s8;
	s9 =	sand.u32 $0x300, s15;
	v45 =	vld.idx.msk [tilespmem:v59+s13+$0x0], $0xffff;
	[tilespmem:s17+$0x18100] =	vst v51  }
0x1d4: {  	s22 =	sadd.s32 $0x100, s6;
	s17 =	sadd.s32 s14, s0;
	s19 =	sadd.s32 s9, s8;
	v51 =	vadd.s32 v23, v26;
	v26 =	vmov v54;
	[tilespmem:s20+$0x0] =	vst v38;
	v38 =	vor.u32 v37, v50;
	v50 =	vld.idx.msk [tilespmem:v52+s13+$0x0], $0xffff  }
0x1d5: {  	s30 =	sor.u32 $0x410, s22;
	s15 =	sor.u32 $0x400, s22;
	s9 =	sor.u32 $0x400, s17;
	v51 =	vor.u32 v27, v51;
	v27 =	vmov v37;
	v52 =	vld.idx.msk [tilespmem:v56+s13+$0x0], $0xffff;
	[tilespmem:s19+$0x0] =	vst v53;
	v38 =	vor.u32 v4, v38  }
0x1d6: {  	s6 =	sor.u32 $0x420, s22;
	s31 =	sor.u32 $0x410, s17;
	s14 =	sor.u32 $0x420, s17;
	v37 =	vor.u32 v30, v55;
	v51 =	vor.u32 v22, v51;
	[tilespmem:s10+$0x0] =	vst v60;
	v49 =	vld.idx.msk [tilespmem:v49+s13+$0x0], $0xffff  }
0x1d7: {  	s8 =	sor.u32 $0x430, s17;
	s17 =	sor.u32 $0x430, s22;
	v37 =	vor.u32 v4, v37;
	v53 =	vor.u32 v32, v58;
	v44 =	vld.idx.msk [tilespmem:v44+s13+$0x0], $0xffff;
	[tilespmem:s16+$0x18100] =	vst v48  }
0x1d8: {  	v39 =	vor.u32 v40, v39;
	v48 =	vor.u32 v4, v53;
	v41 =	vld.idx.msk [tilespmem:v41+s13+$0x0], $0xffff;
	[tilespmem:s7+$0x18100] =	vst v47;
	s7 =	smov.u32 s30  }
0x1d9: {  	v34 =	vor.u32 v24, v34;
	v24 =	vmov v30;
	v39 =	vor.u32 v4, v39;
	s16 =	sor.u32 $0x420, s5;
	[tilespmem:s11+$0x10] =	vst v45;
	v36 =	vld.idx.msk [tilespmem:v36+s13+$0x0], $0xffff  }
0x1da: {  	v33 =	vor.u32 v20, v33;
	v30 =	vld.idx.msk [tilespmem:v38+s13+$0x0], $0xffff;
	v38 =	vadd.s32 v7, v26;
	[tilespmem:s16+$0x18100] =	vst v50  }
0x1db: {  	v34 =	vor.u32 v22, v34;
	[tilespmem:s20+$0x10] =	vst v52;
	v38 =	vor.u32 v27, v38;
	v45 =	vld.idx.msk [tilespmem:v51+s13+$0x0], $0xffff  }
0x1dc: {  	v47 =	vadd.s32 v7, v42;
	v37 =	vld.idx.msk [tilespmem:v37+s13+$0x0], $0xffff;
	[tilespmem:s19+$0x10] =	vst v49;
	v38 =	vor.u32 v6, v38  }
0x1dd: {  	[tilespmem:s10+$0x10] =	vst v44;
	v44 =	vor.u32 v24, v47;
	v47 =	vld.idx.msk [tilespmem:v48+s13+$0x0], $0xffff;
	v48 =	vadd.s32 v7, v43  }
0x1de: {  	v39 =	vld.idx.msk [tilespmem:v39+s13+$0x0], $0xffff;
	v44 =	vor.u32 v6, v44;
	v48 =	vor.u32 v32, v48;
	[tilespmem:s3+$0x18100] =	vst v46;
	s3 =	smov.u32 s31  }
0x1df: {  	v35 =	vor.u32 v40, v35;
	v46 =	vor.u32 v6, v48;
	v33 =	vld.idx.msk [tilespmem:v33+s13+$0x0], $0xffff;
	[tilespmem:s4+$0x18100] =	vst v41  }
0x1e0: {  	v31 =	vor.u32 v25, v31;
	v35 =	vor.u32 v6, v35;
	v25 =	vmov v32;
	s4 =	sor.u32 $0x430, s5;
	[tilespmem:s11+$0x20] =	vst v30;
	v30 =	vld.idx.msk [tilespmem:v34+s13+$0x0], $0xffff  }
0x1e1: {  	v31 =	vor.u32 v22, v31;
	v34 =	vadd.s32 v9, v26;
	v32 =	vld.idx.msk [tilespmem:v38+s13+$0x0], $0xffff;
	[tilespmem:s4+$0x18100] =	vst v45  }
0x1e2: {  	v29 =	vor.u32 v22, v29;
	v38 =	vadd.s32 v9, v28;
	v34 =	vor.u32 v27, v34;
	[tilespmem:s20+$0x20] =	vst v37  }
0x1e3: {  	v41 =	vadd.s32 v9, v42;
	v34 =	vor.u32 v8, v34;
	v37 =	vld.idx.msk [tilespmem:v44+s13+$0x0], $0xffff;
	[tilespmem:s19+$0x20] =	vst v47  }
0x1e4: {  	v45 =	vadd.s32 v9, v43;
	v44 =	vmov s18;
	[tilespmem:s10+$0x20] =	vst v39;
	v39 =	vor.u32 v24, v41;
	v41 =	vld.idx.msk [tilespmem:v46+s13+$0x0], $0xffff  }
0x1e5: {  	v45 =	vor.u32 v25, v45;
	v46 =	vshll.u32 v44, $0x7;
	v35 =	vld.idx.msk [tilespmem:v35+s13+$0x0], $0xffff;
	v39 =	vor.u32 v8, v39;
	[tilespmem:s29+$0x18100] =	vst v36;
	s29 =	smov.u32 s6  }
0x1e6: {  	s5 =	sadd.s32 $0x2, s18;
	s4 =	sadd.s32 $0x1, s18;
	v38 =	vor.u32 v40, v38;
	v36 =	vshrl.u32 v44, $0x3;
	v44 =	vor.u32 v8, v45;
	[tilespmem:s28+$0x18100] =	vst v33;
	v31 =	vld.idx.msk [tilespmem:v31+s13+$0x0], $0xffff;
	s28 =	smov.u32 s14  }
0x1e7: {  	v47 =	vmov s5;
	v38 =	vor.u32 v8, v38;
	v33 =	vmov s4;
	[tilespmem:s11+$0x30] =	vst v32;
	v29 =	vld.idx.msk [tilespmem:v29+s13+$0x0], $0xffff  }
0x1e8: {  	v45 =	vadd.s32 v11, v26;
	v32 =	vand.u32 $0x200, v46;
	v46 =	vshll.u32 v33, $0x7;
	v34 =	vld.idx.msk [tilespmem:v34+s13+$0x0], $0xffff;
	[tilespmem:s2+$0x18100] =	vst v30  }
0x1e9: {  	v48 =	vadd.s32 v23, v28;
	v30 =	vadd.s32 v11, v28;
	[tilespmem:s20+$0x30] =	vst v37;
	v37 =	vor.u32 v27, v45  }
0x1ea: {  	v45 =	vshll.u32 v47, $0x7;
	v49 =	vld.idx.msk [tilespmem:v39+s13+$0x0], $0xffff;
	v39 =	vadd.s32 v11, v42;
	[tilespmem:s19+$0x30] =	vst v41;
	v37 =	vor.u32 v10, v37  }
0x1eb: {  	v36 =	vmul.u32 $0xC00, v36;
	[tilespmem:s10+$0x30] =	vst v35;
	v35 =	vor.u32 v24, v39;
	v41 =	vld.idx.msk [tilespmem:v44+s13+$0x0], $0xffff;
	v39 =	vadd.s32 v11, v43  }
0x1ec: {  	v50 =	vshrl.u32 v33, $0x3;
	v33 =	vld.idx.msk [tilespmem:v38+s13+$0x0], $0xffff;
	v38 =	vor.u32 v10, v35;
	v35 =	vor.u32 v25, v39;
	[tilespmem:s26+$0x18100] =	vst v31;
	s26 =	smov.u32 s17  }
0x1ed: {  	v30 =	vor.u32 v40, v30;
	v31 =	vadd.s32 v21, v28;
	v44 =	vor.u32 v10, v35;
	[tilespmem:s25+$0x18100] =	vst v29;
	s25 =	smov.u32 s8  }
0x1ee: {  	v53 =	vadd.s32 v17, v28;
	v52 =	vadd.s32 v19, v28;
	v29 =	vor.u32 v10, v30;
	[tilespmem:s11+$0x40] =	vst v34  }
0x1ef: {  	v54 =	vadd.s32 v15, v28;
	v34 =	vadd.s32 v13, v28;
	v28 =	vadd.s32 v13, v26;
	v37 =	vld.idx.msk [tilespmem:v37+s13+$0x0], $0xffff  }
0x1f0: {  	v39 =	vadd.s32 v5, v36;
	v35 =	vadd.s32 v7, v36;
	v28 =	vor.u32 v27, v28;
	[tilespmem:s20+$0x40] =	vst v49  }
0x1f1: {  	v47 =	vshrl.u32 v47, $0x3;
	v49 =	vadd.s32 v13, v42;
	v38 =	vld.idx.msk [tilespmem:v38+s13+$0x0], $0xffff;
	[tilespmem:s19+$0x40] =	vst v41;
	v41 =	vor.u32 v12, v28  }
0x1f2: {  	v30 =	vand.u32 $0x280, v46;
	v57 =	vor.u32 v24, v49;
	[tilespmem:s10+$0x40] =	vst v33;
	v46 =	vld.idx.msk [tilespmem:v44+s13+$0x0], $0xffff;
	v33 =	vadd.s32 v13, v43  }
0x1f3: {  	v44 =	vadd.s32 v3, v36;
	v51 =	vor.u32 v12, v57;
	v49 =	vld.idx.msk [tilespmem:v29+s13+$0x0], $0xffff;
	v33 =	vor.u32 v25, v33  }
0x1f4: {  	v56 =	vadd.s32 v1, v36;
	v28 =	vmovc v36;
	v29 =	vor.u32 v40, v34;
	v55 =	vor.u32 v12, v33  }
0x1f5: {  	v34 =	vadd.s32 v23, v42;
	v57 =	vor.u32 v12, v29;
	v29 =	vor.u32 v40, v48;
	[tilespmem:s11+$0x50] =	vst v37  }
0x1f6: {  	v33 =	vor.u32 v40, v31;
	v31 =	vadd.s32 v23, v43;
	v37 =	vadd.s32 v15, v26;
	v58 =	vld.idx.msk [tilespmem:v41+s13+$0x0], $0xffff  }
0x1f7: {  	v36 =	vadd.s32 v21, v43;
	v41 =	vadd.s32 v21, v42;
	[tilespmem:s20+$0x50] =	vst v38;
	v38 =	vor.u32 v27, v37  }
0x1f8: {  	v48 =	vadd.s32 v15, v42;
	v37 =	vmul.u32 $0xC00, v50;
	v59 =	vld.idx.msk [tilespmem:v51+s13+$0x0], $0xffff;
	[tilespmem:s19+$0x50] =	vst v46;
	v60 =	vor.u32 v14, v38  }
0x1f9: {  	v38 =	vmul.u32 $0xC00, v47;
	v47 =	vor.u32 v24, v48;
	v48 =	vadd.s32 v15, v43;
	[tilespmem:s10+$0x50] =	vst v49;
	v50 =	vld.idx.msk [tilespmem:v55+s13+$0x0], $0xffff  }
.Ltmp4:
0x1fa: {  	v46 =	vor.u32 v40, v52;
	v55 =	vor.u32 v14, v47;
	v47 =	vor.u32 v25, v48;
	v51 =	vld.idx.msk [tilespmem:v57+s13+$0x0], $0xffff;
	(pc) =	sbr.rel @p1 .LBB2_9-.Ltmp4, $4  }
0x1fb: {  	v49 =	vor.u32 v40, v54;
	v48 =	vadd.s32 v19, v42;
	v54 =	vor.u32 v14, v47  }
0x1fc: {  	v52 =	vor.u32 v14, v49;
	v49 =	vor.u32 v40, v53;
	v47 =	vadd.s32 v19, v43;
	[tilespmem:s11+$0x60] =	vst v58  }
0x1fd: {  	v42 =	vadd.s32 v17, v42;
	v43 =	vadd.s32 v17, v43;
	v40 =	vadd.s32 v17, v26;
	v53 =	vld.idx.msk [tilespmem:v60+s13+$0x0], $0xffff  }
0x1fe: {  	s2 =	sadd.s32 $0x3, s18;
	s18 =	sadd.s32 $0x4, s18;
	v56 =	vor.u32 v32, v56;
	v57 =	vadd.s32 v1, v37;
	v58 =	vor.u32 v27, v40;
	[tilespmem:s20+$0x60] =	vst v59  }
0x1ff: {  	_ =	sdelay $0x2  }
0x200: {  	v59 =	vmov s2  }
0x201: {  	v58 =	vor.u32 v16, v58;
	v55 =	vld.idx.msk [tilespmem:v55+s13+$0x0], $0xffff;
	v40 =	vshrl.u32 v59, $0x3  }
0x202: {  	v40 =	vmul.u32 $0xC00, v40  }
0x203: {  	v60 =	vor.u32 v24, v42;
	[tilespmem:s19+$0x60] =	vst v50;
	v59 =	vshll.u32 v59, $0x7  }
0x204: {  	v63 =	vor.u32 v30, v57;
	[tilespmem:s10+$0x60] =	vst v51;
	v51 =	vld.idx.msk [tilespmem:v54+s13+$0x0], $0xffff;
	v42 =	vand.u32 $0x380, v59;
	v61 =	vadd.s32 v1, v40  }
0x205: {  	s24 =	sadd.s32 $0x4, s24;
	v50 =	vor.u32 v0, v63;
	v59 =	vor.u32 v16, v60;
	[tilespmem:s11+$0x70] =	vst v53;
	v60 =	vor.u32 v42, v61  }
0x206: {  	s16 =	sand.u32 $0x7, s24;
	v61 =	vadd.s32 v1, v38;
	v54 =	vld.idx.msk [tilespmem:v58+s13+$0x0], $0xffff;
	[tilespmem:s20+$0x70] =	vst v55;
	v55 =	vor.u32 v0, v56  }
0x207: {  	s2 =	sshll.u32 s16, $0x7;
	v57 =	vor.u32 v0, v60;
	v60 =	vor.u32 v25, v43;
	v43 =	vand.u32 $0x300, v45  }
0x208: {  	s2 =	sadd.s32 s0, s2;
	v45 =	vld.idx.msk [tilespmem:v52+s13+$0x0], $0xffff;
	v52 =	vor.u32 v16, v60;
	v62 =	vor.u32 v43, v61  }
0x209: {  	s18 =	sadd.s32 $0x180, s2;
	v53 =	vor.u32 v0, v62  }
0x20a: {  	s6 =	sadd.s32 $0x200, s1;
	v44 =	vor.u32 v32, v44;
	v63 =	vadd.s32 v3, v40;
	s4 =	sor.u32 $0x400, s18;
	v50 =	vld.idx.msk [tilespmem:v50+s13+$0x0], $0xffff  }
0x20b: {  	s1 =	sand.u32 $0x380, s6;
	v44 =	vor.u32 v2, v44;
	s0 =	sadd.s32 $0x400, s0;
	v58 =	vor.u32 v42, v63;
	[tilespmem:s4+$0x18100] =	vst v54;
	v54 =	vld.idx.msk [tilespmem:v55+s13+$0x0], $0xffff  }
0x20c: {  	s30 =	sadd.s32 $0xFFFFFF80, s6;
	s5 =	sand.u32 $0x7800, s0;
	s20 =	sadd.s32 $0xFFFFFF00, s6;
	[tilespmem:s19+$0x70] =	vst v51;
	v51 =	vor.u32 v2, v58;
	v60 =	vadd.s32 v3, v37;
	v57 =	vld.idx.msk [tilespmem:v57+s13+$0x0], $0xffff  }
0x20d: {  	s6 =	sadd.s32 $0xFFFFFE80, s6;
	s19 =	sor.u32 $0x18100, s5;
	s22 =	sand.u32 $0x280, s20;
	v61 =	vor.u32 v30, v60;
	v62 =	vadd.s32 v3, v38;
	[tilespmem:s10+$0x70] =	vst v45;
	v45 =	vld.idx.msk [tilespmem:v52+s13+$0x0], $0xffff  }
0x20e: {  	s14 =	sand.u32 $0x200, s6;
	s31 =	sor.u32 s22, s19;
	v58 =	vor.u32 v2, v61;
	v52 =	vor.u32 v43, v62;
	v53 =	vld.idx.msk [tilespmem:v53+s13+$0x0], $0xffff  }
0x20f: {  	v49 =	vor.u32 v16, v49;
	v39 =	vor.u32 v32, v39;
	s11 =	sadd.s32 $0x80, s2;
	s2 =	sor.u32 s14, s19;
	[tilespmem:s31+$0x0] =	vst v50;
	v52 =	vor.u32 v2, v52  }
0x210: {  	v39 =	vor.u32 v4, v39;
	v56 =	vld.idx.msk [tilespmem:v59+s13+$0x0], $0xffff;
	s1 =	sadd.s32 s1, s19;
	v60 =	vadd.s32 v5, v40;
	[tilespmem:s2+$0x0] =	vst v54  }
0x211: {  	v63 =	vadd.s32 v5, v37;
	s5 =	sand.u32 $0x300, s30;
	v61 =	vor.u32 v42, v60;
	[tilespmem:s1+$0x0] =	vst v57;
	v44 =	vld.idx.msk [tilespmem:v44+s13+$0x0], $0xffff  }
0x212: {  	s8 =	sadd.s32 s5, s19;
	v55 =	vor.u32 v30, v63;
	v63 =	vadd.s32 v5, v38;
	v51 =	vld.idx.msk [tilespmem:v51+s13+$0x0], $0xffff;
	[tilespmem:s15+$0x18100] =	vst v45  }
0x213: {  	v50 =	vor.u32 v4, v61;
	v62 =	vadd.s32 v19, v26;
	v45 =	vld.idx.msk [tilespmem:v58+s13+$0x0], $0xffff;
	[tilespmem:s8+$0x0] =	vst v53  }
0x214: {  	s17 =	sor.u32 $0x400, s11;
	v60 =	vor.u32 v4, v55;
	v61 =	vor.u32 v27, v62;
	v62 =	vor.u32 v43, v63;
	v52 =	vld.idx.msk [tilespmem:v52+s13+$0x0], $0xffff  }
0x215: {  	v48 =	vor.u32 v24, v48;
	v35 =	vor.u32 v32, v35;
	[tilespmem:s17+$0x18100] =	vst v56;
	v63 =	vor.u32 v4, v62  }
0x216: {  	v47 =	vor.u32 v25, v47;
	v46 =	vor.u32 v18, v46;
	v35 =	vor.u32 v6, v35;
	[tilespmem:s2+$0x10] =	vst v44  }
0x217: {  	v59 =	vadd.s32 v7, v38;
	v56 =	vadd.s32 v7, v40;
	[tilespmem:s1+$0x10] =	vst v51;
	v39 =	vld.idx.msk [tilespmem:v39+s13+$0x0], $0xffff  }
0x218: {  	v57 =	vor.u32 v42, v56;
	v58 =	vadd.s32 v7, v37;
	[tilespmem:s31+$0x10] =	vst v45;
	v50 =	vld.idx.msk [tilespmem:v50+s13+$0x0], $0xffff  }
0x219: {  	v45 =	vor.u32 v6, v57;
	v51 =	vor.u32 v30, v58;
	v53 =	vld.idx.msk [tilespmem:v60+s13+$0x0], $0xffff;
	[tilespmem:s8+$0x10] =	vst v52  }
0x21a: {  	v48 =	vor.u32 v18, v48;
	v51 =	vor.u32 v6, v51;
	v52 =	vor.u32 v43, v59;
	v54 =	vld.idx.msk [tilespmem:v63+s13+$0x0], $0xffff  }
0x21b: {  	v47 =	vor.u32 v18, v47;
	v49 =	vld.idx.msk [tilespmem:v49+s13+$0x0], $0xffff;
	v55 =	vor.u32 v18, v61;
	v44 =	vor.u32 v6, v52  }
0x21c: {  	v61 =	vadd.s32 v9, v37;
	v60 =	vadd.s32 v9, v40;
	v63 =	vadd.s32 v9, v28;
	[tilespmem:s2+$0x20] =	vst v39  }
0x21d: {  	[tilespmem:s1+$0x20] =	vst v50;
	v50 =	vor.u32 v42, v60;
	v60 =	vor.u32 v32, v63;
	v35 =	vld.idx.msk [tilespmem:v35+s13+$0x0], $0xffff  }
0x21e: {  	v62 =	vadd.s32 v9, v38;
	[tilespmem:s31+$0x20] =	vst v53;
	v45 =	vld.idx.msk [tilespmem:v45+s13+$0x0], $0xffff;
	v39 =	vor.u32 v8, v60  }
0x21f: {  	v52 =	vor.u32 v30, v61;
	v51 =	vld.idx.msk [tilespmem:v51+s13+$0x0], $0xffff;
	v50 =	vor.u32 v8, v50;
	[tilespmem:s8+$0x20] =	vst v54  }
0x220: {  	v41 =	vor.u32 v24, v41;
	v52 =	vor.u32 v8, v52;
	v54 =	vor.u32 v43, v62;
	v44 =	vld.idx.msk [tilespmem:v44+s13+$0x0], $0xffff  }
0x221: {  	v41 =	vor.u32 v20, v41;
	v48 =	vld.idx.msk [tilespmem:v48+s13+$0x0], $0xffff;
	v57 =	vadd.s32 v11, v28;
	v54 =	vor.u32 v8, v54  }
0x222: {  	v47 =	vld.idx.msk [tilespmem:v47+s13+$0x0], $0xffff;
	v58 =	vor.u32 v32, v57;
	v61 =	vadd.s32 v11, v40;
	[tilespmem:s2+$0x30] =	vst v35  }
0x223: {  	v63 =	vadd.s32 v11, v38;
	v62 =	vadd.s32 v11, v37;
	[tilespmem:s1+$0x30] =	vst v45;
	v39 =	vld.idx.msk [tilespmem:v39+s13+$0x0], $0xffff  }
0x224: {  	v35 =	vor.u32 v10, v58;
	[tilespmem:s31+$0x30] =	vst v51;
	v45 =	vor.u32 v42, v61;
	v50 =	vld.idx.msk [tilespmem:v50+s13+$0x0], $0xffff  }
0x225: {  	v51 =	vor.u32 v30, v62;
	v52 =	vld.idx.msk [tilespmem:v52+s13+$0x0], $0xffff;
	v45 =	vor.u32 v10, v45;
	[tilespmem:s8+$0x30] =	vst v44  }
0x226: {  	s17 =	sor.u32 $0x410, s11;
	[tilespmem:s9+$0x18100] =	vst v49;
	v51 =	vor.u32 v10, v51;
	v44 =	vor.u32 v43, v63;
	v54 =	vld.idx.msk [tilespmem:v54+s13+$0x0], $0xffff  }
0x227: {  	v46 =	vld.idx.msk [tilespmem:v46+s13+$0x0], $0xffff;
	[tilespmem:s17+$0x18100] =	vst v48;
	v59 =	vadd.s32 v13, v40;
	v44 =	vor.u32 v10, v44  }
0x228: {  	v49 =	vor.u32 v42, v59;
	v53 =	vld.idx.msk [tilespmem:v55+s13+$0x0], $0xffff;
	v63 =	vadd.s32 v13, v28;
	[tilespmem:s2+$0x40] =	vst v39  }
0x229: {  	v49 =	vor.u32 v12, v49;
	v57 =	vor.u32 v32, v63;
	[tilespmem:s1+$0x40] =	vst v50;
	v35 =	vld.idx.msk [tilespmem:v35+s13+$0x0], $0xffff  }
0x22a: {  	v60 =	vadd.s32 v13, v37;
	v58 =	vor.u32 v12, v57;
	[tilespmem:s31+$0x40] =	vst v52;
	v45 =	vld.idx.msk [tilespmem:v45+s13+$0x0], $0xffff  }
0x22b: {  	v61 =	vadd.s32 v13, v38;
	v50 =	vor.u32 v30, v60;
	v51 =	vld.idx.msk [tilespmem:v51+s13+$0x0], $0xffff;
	[tilespmem:s8+$0x40] =	vst v54  }
0x22c: {  	s16 =	sor.u32 $0x410, s18;
	v55 =	vadd.s32 v21, v26;
	v62 =	vor.u32 v43, v61;
	v50 =	vor.u32 v12, v50;
	v44 =	vld.idx.msk [tilespmem:v44+s13+$0x0], $0xffff  }
0x22d: {  	v59 =	vadd.s32 v15, v40;
	v55 =	vor.u32 v27, v55;
	[tilespmem:s16+$0x18100] =	vst v53;
	v56 =	vor.u32 v12, v62  }
0x22e: {  	v55 =	vor.u32 v20, v55;
	v53 =	vadd.s32 v15, v38;
	v54 =	vadd.s32 v15, v28;
	[tilespmem:s2+$0x50] =	vst v35  }
0x22f: {  	v61 =	vadd.s32 v15, v37;
	v57 =	vor.u32 v32, v54;
	[tilespmem:s1+$0x50] =	vst v45;
	v45 =	vld.idx.msk [tilespmem:v58+s13+$0x0], $0xffff  }
0x230: {  	v60 =	vor.u32 v42, v59;
	v59 =	vor.u32 v14, v57;
	[tilespmem:s31+$0x50] =	vst v51;
	v48 =	vld.idx.msk [tilespmem:v49+s13+$0x0], $0xffff  }
0x231: {  	v63 =	vor.u32 v30, v61;
	v62 =	vor.u32 v14, v60;
	v49 =	vld.idx.msk [tilespmem:v50+s13+$0x0], $0xffff;
	[tilespmem:s8+$0x50] =	vst v44  }
0x232: {  	[tilespmem:s7+$0x18100] =	vst v47;
	v47 =	vor.u32 v14, v63;
	v50 =	vor.u32 v43, v53;
	v39 =	vld.idx.msk [tilespmem:v56+s13+$0x0], $0xffff  }
0x233: {  	[tilespmem:s3+$0x18100] =	vst v46;
	v52 =	vld.idx.msk [tilespmem:v55+s13+$0x0], $0xffff;
	v55 =	vor.u32 v14, v50;
	v56 =	vadd.s32 v23, v26  }
0x234: {  	v61 =	vadd.s32 v17, v37;
	v58 =	vld.idx.msk [tilespmem:v41+s13+$0x0], $0xffff;
	v26 =	vor.u32 v27, v56;
	[tilespmem:s2+$0x60] =	vst v45  }
0x235: {  	v60 =	vadd.s32 v17, v40;
	v26 =	vor.u32 v22, v26;
	[tilespmem:s1+$0x60] =	vst v48;
	v41 =	vld.idx.msk [tilespmem:v59+s13+$0x0], $0xffff  }
0x236: {  	v63 =	vadd.s32 v17, v28;
	v46 =	vor.u32 v42, v60;
	[tilespmem:s31+$0x60] =	vst v49;
	v44 =	vld.idx.msk [tilespmem:v62+s13+$0x0], $0xffff  }
0x237: {  	v46 =	vor.u32 v16, v46;
	v48 =	vor.u32 v30, v61;
	v47 =	vld.idx.msk [tilespmem:v47+s13+$0x0], $0xffff;
	[tilespmem:s8+$0x60] =	vst v39  }
0x238: {  	s19 =	sor.u32 $0x420, s18;
	v50 =	vor.u32 v32, v63;
	v62 =	vadd.s32 v17, v38;
	v48 =	vor.u32 v16, v48;
	v35 =	vld.idx.msk [tilespmem:v55+s13+$0x0], $0xffff  }
0x239: {  	[tilespmem:s19+$0x18100] =	vst v52;
	v27 =	vor.u32 v16, v50;
	v39 =	vor.u32 v43, v62  }
0x23a: {  	v36 =	vor.u32 v25, v36;
	v39 =	vor.u32 v16, v39;
	v26 =	vld.idx.msk [tilespmem:v26+s13+$0x0], $0xffff;
	[tilespmem:s2+$0x70] =	vst v41  }
0x23b: {  	v36 =	vor.u32 v20, v36;
	s22 =	sadd.s32 $0x4, s24;
	v54 =	vadd.s32 v19, v28;
	v51 =	vadd.s32 v19, v40;
	[tilespmem:s1+$0x70] =	vst v44  }
0x23c: {  	s23 =	sadd.s32 $0x2, s23;
	p0 =	por !p0, !p0;
	v52 =	vadd.s32 v19, v37;
	[tilespmem:s31+$0x70] =	vst v47;
	s1 =	sand.u32 $0x7, s22;
	v44 =	vld.idx.msk [tilespmem:v46+s13+$0x0], $0xffff;
	v46 =	vor.u32 v42, v51  }
0x23d: {  	s20 =	sor.u32 $0x420, s11;
	s4 =	simm.s32 $0x1;
	s1 =	sshll.u32 s1, $0x7;
	v45 =	vld.idx.msk [tilespmem:v48+s13+$0x0], $0xffff;
	[tilespmem:s8+$0x70] =	vst v35;
	v46 =	vor.u32 v18, v46;
	v35 =	vor.u32 v30, v52  }
0x23e: {  	s4 =	simm.s32 @!p0 $0x0;
	v53 =	vadd.s32 v19, v38;
	v55 =	vor.u32 v32, v54;
	s31 =	sor.u32 $0x430, s18;
	v27 =	vld.idx.msk [tilespmem:v27+s13+$0x0], $0xffff;
	s24 =	sadd.s32 s0, s1;
	v35 =	vor.u32 v18, v35  }
0x23f: {  	s4 =	sshll.u32 s4, $0x9;
	s3 =	sand.u32 $0x3, s23;
	v47 =	vor.u32 v43, v53;
	v39 =	vld.idx.msk [tilespmem:v39+s13+$0x0], $0xffff;
	s1 =	sadd.s32 $0x180, s24;
	[tilespmem:s31+$0x18100] =	vst v26;
	v26 =	vor.u32 v18, v55  }
0x240: {  	v33 =	vor.u32 v20, v33;
	s30 =	sshll.u32 s3, $0x8;
	v36 =	vld.idx.msk [tilespmem:v36+s13+$0x0], $0xffff;
	[tilespmem:s20+$0x18100] =	vst v58;
	v56 =	vor.u32 v18, v47;
	s3 =	sadd.s32 $0x80, s24;
	s7 =	sor.u32 $0x400, s1  }
0x241: {  	v29 =	vor.u32 v22, v29;
	v60 =	vadd.s32 v21, v40;
	v63 =	vadd.s32 v21, v38;
	s2 =	sadd.s32 s0, s30;
	s0 =	sadd.s32 s4, s0;
	s9 =	sor.u32 $0x400, s3;
	[tilespmem:s7+$0x18100] =	vst v44  }
0x242: {  	v59 =	vor.u32 v24, v34;
	v34 =	vor.u32 v42, v60;
	s8 =	sadd.s32 $0x100, s2;
	s14 =	sor.u32 $0x400, s0;
	[tilespmem:s9+$0x18100] =	vst v45;
	v57 =	vld.idx.msk [tilespmem:v46+s13+$0x0], $0xffff  }
0x243: {  	v24 =	vor.u32 v22, v59;
	v62 =	vadd.s32 v21, v37;
	s10 =	sor.u32 $0x400, s8;
	[tilespmem:s14+$0x18100] =	vst v27;
	v58 =	vld.idx.msk [tilespmem:v35+s13+$0x0], $0xffff  }
0x244: {  	v34 =	vor.u32 v20, v34;
	v41 =	vor.u32 v30, v62;
	[tilespmem:s10+$0x18100] =	vst v39;
	v26 =	vld.idx.msk [tilespmem:v26+s13+$0x0], $0xffff  }
0x245: {  	[tilespmem:s29+$0x18100] =	vst v36;
	v36 =	vor.u32 v43, v63;
	v49 =	vor.u32 v20, v41;
	v61 =	vld.idx.msk [tilespmem:v56+s13+$0x0], $0xffff  }
0x246: {  	v33 =	vld.idx.msk [tilespmem:v33+s13+$0x0], $0xffff;
	v36 =	vor.u32 v20, v36;
	v48 =	vadd.s32 v21, v28;
	v51 =	vor.u32 v25, v31;
	s15 =	sor.u32 $0x410, s1  }
0x247: {  	v54 =	vadd.s32 v23, v38;
	v50 =	vor.u32 v32, v48;
	v25 =	vor.u32 v22, v51;
	s16 =	sor.u32 $0x410, s3;
	[tilespmem:s15+$0x18100] =	vst v57  }
0x248: {  	v24 =	vld.idx.msk [tilespmem:v24+s13+$0x0], $0xffff;
	v52 =	vadd.s32 v23, v40;
	s18 =	sor.u32 $0x410, s0;
	v27 =	vor.u32 v20, v50;
	[tilespmem:s16+$0x18100] =	vst v58  }
0x249: {  	v53 =	vadd.s32 v23, v37;
	s17 =	sor.u32 $0x410, s8;
	[tilespmem:s18+$0x18100] =	vst v26;
	v34 =	vld.idx.msk [tilespmem:v34+s13+$0x0], $0xffff;
	v26 =	vor.u32 v42, v52  }
0x24a: {  	v56 =	vor.u32 v30, v53;
	[tilespmem:s17+$0x18100] =	vst v61;
	v26 =	vor.u32 v22, v26;
	v55 =	vld.idx.msk [tilespmem:v49+s13+$0x0], $0xffff  }
0x24b: {  	v35 =	vor.u32 v43, v54;
	v30 =	vor.u32 v22, v56;
	v58 =	vld.idx.msk [tilespmem:v36+s13+$0x0], $0xffff  }
0x24c: {  	[tilespmem:s28+$0x18100] =	vst v33;
	s19 =	sor.u32 $0x430, s11;
	v25 =	vld.idx.msk [tilespmem:v25+s13+$0x0], $0xffff;
	v59 =	vor.u32 v22, v35  }
0x24d: {  	s20 =	sor.u32 $0x420, s1;
	[tilespmem:s19+$0x18100] =	vst v24;
	v57 =	vadd.s32 v23, v28;
	v27 =	vld.idx.msk [tilespmem:v27+s13+$0x0], $0xffff  }
0x24e: {  	s22 =	sor.u32 $0x420, s3;
	v28 =	vor.u32 v32, v57;
	v61 =	vld.idx.msk [tilespmem:v29+s13+$0x0], $0xffff;
	[tilespmem:s20+$0x18100] =	vst v34  }
0x24f: {  	s23 =	sor.u32 $0x420, s8;
	v60 =	vor.u32 v22, v28;
	[tilespmem:s22+$0x18100] =	vst v55;
	v26 =	vld.idx.msk [tilespmem:v26+s13+$0x0], $0xffff  }
0x250: {  	[tilespmem:s23+$0x18100] =	vst v58;
	v62 =	vld.idx.msk [tilespmem:v30+s13+$0x0], $0xffff  }
0x251: {  	s24 =	sor.u32 $0x420, s0;
	[tilespmem:s26+$0x18100] =	vst v25;
	v63 =	vld.idx.msk [tilespmem:v59+s13+$0x0], $0xffff  }
0x252: {  	[tilespmem:s24+$0x18100] =	vst v27  }
0x253: {  	s1 =	sor.u32 $0x430, s1;
	[tilespmem:s25+$0x18100] =	vst v61  }
0x254: {  	s21 =	sadd.s32 $0x1, s21;
	s28 =	sor.u32 $0x430, s3;
	v24 =	vld.idx.msk [tilespmem:v60+s13+$0x0], $0xffff;
	[tilespmem:s1+$0x18100] =	vst v26  }
0x255: {  	p0 =	sne.s32 s21, $0x18;
	s29 =	sor.u32 $0x430, s8;
	[tilespmem:s28+$0x18100] =	vst v62  }
.Ltmp5:
0x256: {  	[tilespmem:s29+$0x18100] =	vst v63;
	(pc) =	sbr.rel @p0 .LBB2_2-.Ltmp5, $4  }
0x257: {  	s1 =	rddreg [dreg:$0xa]  }
0x258: {  	s30 =	rddreg [dreg:$0x2];
	s0 =	sor.u32 $0x430, s0;
	s1 =	sshll.u32 s1, $0x5  }
0x259: {  	s5 =	simm.s32 $0x0;
	s31 =	simm.s32 $0x18100;
	[tilespmem:s0+$0x18100] =	vst v24;
	s0 =	sadd.s32 s30, s1  }
0x25a: {  	[hbm4b:s0+s5] =	stream.linear.scatter [tilespmem:s31], [sflag:$0x4], $0x6000, $0x38;
	[tilespmem:$0x1E100] =	vst v63  }
0x25b: {  	s0 =	simm.s32 $0x3  }
0x25c: {  	_ =	swait.ge [sflag:s0], $0x6000  }
0x25d: {  	[sflag:s0] =	ssyncset.done $0x0  }
0x25e: {  	s1 =	simm.s32 $0x4;
	[sflag:s0] =	ssyncadd.s32 $0xFFFFA000  }
0x25f: {  	_ =	swait.ge [sflag:s1], $0x6000  }
0x260: {  	s2 =	rddreg [dreg:$0x9]  }
0x261: {  	s31 =	rddreg [dreg:$0x8];
	s2 =	sadd.s32 $0x1, s2  }
0x262: {  	p0 =	sne.s32 s2, s31  }
.Ltmp6:
0x263: {  	_ = 	snop;
	(pc) =	sbr.rel @p0 .LBB2_1-.Ltmp6, $3  }
0x264: {  	_ =	sdelay $0x1  }
0x265: {  	[sflag:s1] =	ssyncset.done $0x0  }
0x266: {  	[sflag:s1] =	ssyncadd.s32 $0xFFFFA000  }
0x267: {  	_ =	sfence.sel $0x180000  }
0x268: {  	[bflag:$0x0] =	sbarrier.arrive $0xFFFF  }
0x269: {  	_ =	strace $0x90000047  }
0x26a: {  	s0 =	stileid.u32;
	[bflag:$0x2] =	sbarrier.arrive $0xFFFF  }
0x26b: {  	p0 =	sne.s32 s0, $0x0;
	s0 =	rddreg [dreg:$0x3]  }
0x26c: {  	s0 =	sadd.s32 @!p0 $0x100000, s0  }
0x26d: {  	[sflag:s0] =	ssyncadd.tile.s32 @!p0 $0x1;
	_ =	shalt  }
.Lfunc_end2:
_tile_overlayer_lowered:
.L_overlay_start_2:
0x26e: {  	(tag) =	ssettag $0x2  }
0x26f: {  	s0 =	rddreg [dreg:$0x0];
	s2 =	stileid.u32  }
0x270: {  	s1 =	rddreg [dreg:$0x1];
	p0 =	sne.s32 s2, $0x0  }
0x271: {  	s3 =	rddreg [dreg:$0x2];
	[bflag:$0x3] =	sbarrier.arrive $0xFFFF;
	s2 =	simm.s32 @!p0 $0x1C05  }
0x272: {  	[timem:s3], [sflag:s2] =	dma.local @!p0 [hbm:s0], s1  }
0x273: {  	s0 =	simm.s32 @!p0 $0x5  }
0x274: {  	_ =	swait.ge @!p0 [sflag:s0], s1  }
0x275: {  	s1 =	ssub.s32 @!p0 $0x0, s1;
	[sflag:s0] =	ssyncset.done @!p0 $0x0  }
0x276: {  	[sflag:s0] =	ssyncadd.s32 @!p0 s1  }
0x277: {  	[bflag:$0x3] =	sbarrier.arrive $0xFFFF  }
0x278: {  	_ =	shalt  }

</sc_bundles>
